<compile_context>
chip_gen: v7x
topology: tpu7x:2x2x1
jax: 0.10.2.dev20260603
libtpu: 0.0.44.dev20260713+nightly
codegen_flags: <defaults>
</compile_context>

<pallas_src>
import functools

import jax
import jax.numpy as jnp
from jax import lax
from jax.experimental import pallas as pl
from jax.experimental.pallas import tpu as pltpu
from jax.experimental.pallas import tpu_sc as plsc

_BATCH = 16384
_VCAT = 52
_VATTR = 128
_L = 16
_NC = 2
_NS = 16
_NW = _NC * _NS
_ROWS_PER_W = _BATCH // _NW
_NGRP = _ROWS_PER_W // _L

_TC_BLK = 2048


def _sc_body(cat_hbm, cvoc_hbm, cat_out_hbm, cat_v, cout_v, cvoc_v, sem_in):
    wid = lax.axis_index("s") * _NC + lax.axis_index("c")
    base = wid * _ROWS_PER_W

    pltpu.sync_copy(cvoc_hbm, cvoc_v)
    in_h = pltpu.async_copy(cat_hbm.at[pl.ds(base, _ROWS_PER_W)], cat_v, sem_in)

    lanes = lax.iota(jnp.int32, _L)
    in_h.wait()

    def group_body(g, carry):
        r = g * _L + lanes
        half = _VCAT // 2
        chains = []
        for lo, hi in ((0, half), (half, _VCAT)):
            col0 = jnp.full((_L,), lo, jnp.int32)
            best_v = plsc.load_gather(cat_v, [r, col0])
            best_i = col0
            for j in range(lo + 1, hi):
                col = jnp.full((_L,), j, jnp.int32)
                v = plsc.load_gather(cat_v, [r, col])
                m = v > best_v
                best_v = jnp.where(m, v, best_v)
                best_i = jnp.where(m, col, best_i)
            chains.append((best_v, best_i))
        (v1, i1), (v2, i2) = chains
        m = v2 > v1
        best_i = jnp.where(m, i2, i1)
        cout_v[pl.ds(g * _L, _L)] = plsc.load_gather(cvoc_v, [best_i])
        return carry

    lax.fori_loop(0, _NGRP, group_body, 0)
    pltpu.sync_copy(cout_v, cat_out_hbm.at[pl.ds(base, _ROWS_PER_W)])


_sc_call = functools.partial(
    pl.kernel,
    mesh=plsc.VectorSubcoreMesh(core_axis_name="c", subcore_axis_name="s"),
    compiler_params=pltpu.CompilerParams(
        needs_layout_passes=False, use_tc_tiling_on_sc=True),
    out_type=jax.ShapeDtypeStruct((_BATCH,), jnp.int32),
    scratch_types=[
        pltpu.VMEM((_ROWS_PER_W, _VCAT), jnp.float32),
        pltpu.VMEM((_ROWS_PER_W,), jnp.int32),
        pltpu.VMEM((_VCAT,), jnp.int32),
        pltpu.SemaphoreType.DMA,
    ],
)(_sc_body)


def _tc_body(attr_ref, voc_ref, out_ref):
    a = attr_ref[...]
    voc = voc_ref[...]
    out_ref[...] = jnp.where(a >= 0.5, voc, voc[0, 0])


_tc_call = pl.pallas_call(
    _tc_body,
    grid=(_BATCH // _TC_BLK,),
    in_specs=[
        pl.BlockSpec((_TC_BLK, _VATTR), lambda i: (i, 0)),
        pl.BlockSpec((1, _VATTR), lambda i: (0, 0)),
    ],
    out_specs=pl.BlockSpec((_TC_BLK, _VATTR), lambda i: (i, 0)),
    out_shape=jax.ShapeDtypeStruct((_BATCH, _VATTR), jnp.int32),
)


def kernel(cat_preds, attribute_preds, cat_vocab_ids, attr_vocab_ids):
    cat_out = _sc_call(cat_preds, cat_vocab_ids)
    attr_out = _tc_call(attribute_preds, attr_vocab_ids.reshape(1, _VATTR))
    return cat_out[:, None], attr_out

# --- scband reference (transcript-rebuilt; emitter-appended) ---
"""Pipeline reference for scband-inverse-tokenization-54417235640382 (READ-ONLY COPY).

The authoritative reference and input builder live on the scoring server;
editing this copy changes nothing except your own understanding.
"""

import jax, jax.numpy as jnp
import numpy as np

BATCH = 16384
VOCAB_CAT = 52   # 50 categories + <PAD> + <OOV>
VOCAB_ATTR = 128  # 126 attributes + <PAD> + <OOV>


def setup_inputs(seed: int = 0) -> dict:
    key = jax.random.key(seed)
    k1, k2 = jax.random.split(key)
    cat_preds = jax.random.uniform(k1, (BATCH, VOCAB_CAT), dtype=jnp.float32)
    attribute_preds = jax.random.uniform(k2, (BATCH, VOCAB_ATTR), dtype=jnp.float32)
    # Integer stand-ins for the StringLookup(invert=True) vocabulary tables.
    # Row i of the table corresponds to vocab token i (0=<PAD>, 1=<OOV>, 2..=tokens).
    cat_vocab_ids = jnp.arange(VOCAB_CAT, dtype=jnp.int32)
    attr_vocab_ids = jnp.arange(VOCAB_ATTR, dtype=jnp.int32)
    return {
        "cat_preds": cat_preds,
        "attribute_preds": attribute_preds,
        "cat_vocab_ids": cat_vocab_ids,
        "attr_vocab_ids": attr_vocab_ids,
    }


def reference(cat_preds, attribute_preds, cat_vocab_ids, attr_vocab_ids):
    # tokens_categories = argmax over category probs, expanded to [..., 1]
    tokens_categories = jnp.argmax(cat_preds, axis=-1)
    tokens_categories = tokens_categories[..., None]
    # multi-hot thresholding of attribute probs
    multihot_attributes = (attribute_preds >= 0.5).astype(jnp.int32)
    vocab_size_attr = attr_vocab_ids.shape[0]
    tokens_attributes = multihot_attributes * jnp.arange(vocab_size_attr, dtype=jnp.int32)
    # Inverse tokenization: gather vocab entries by token id.
    # (String join / regex cleanup of the original is not representable in jnp;
    #  we return the gathered token ids, which is the SparseCore-relevant work.)
    category = jnp.take(cat_vocab_ids, tokens_categories, axis=0)
    attributes = jnp.take(attr_vocab_ids, tokens_attributes, axis=0)
    return (category, attributes)

if __name__ == "__main__":
    import jax
    _d = setup_inputs()
    print(jax.jit(kernel)(*tuple(_d.values())))

</pallas_src>

<mosaic_0001>
#map = affine_map<(d0, d1) -> (0, 0)>
#map1 = affine_map<(d0, d1) -> (0)>
module attributes {stable_mosaic.version = 14 : i64} {
  func.func @_sc_body(%arg0: i32, %arg1: i32, %arg2: memref<16384x52xf32, #tpu.memory_space<hbm>>, %arg3: memref<52xi32, #tpu.memory_space<hbm>>, %arg4: memref<16384xi32, #tpu.memory_space<hbm>>, %arg5: memref<512x52xf32, #tpu.memory_space<vmem>>, %arg6: memref<512xi32, #tpu.memory_space<vmem>>, %arg7: memref<52xi32, #tpu.memory_space<vmem>>, %arg8: memref<!tpu.dma_semaphore, #tpu.memory_space<semaphore_mem>>) attributes {dimension_semantics = [#tpu.dimension_semantics<core_parallel>, #tpu.dimension_semantics<subcore_parallel>], iteration_bounds = array<i64: 2, 16>, scalar_prefetch = 0 : i64, scratch_operands = 4 : i64, tpu.core_type = #tpu.core_type<sc_vector_subcore>, window_params = [{transform_indices = #map}, {transform_indices = #map1}, {transform_indices = #map1}]} {
    %mul3A = arith.constant 2 : i32
    %mul3A_0 = arith.muli %arg1, %mul3A : i32
    %add3A = arith.addi %mul3A_0, %arg0 : i32
    %mul3A_1 = arith.constant 512 : i32
    %mul3A_2 = arith.muli %add3A, %mul3A_1 : i32
    "tpu.region"() ({
      %run_scoped3A = tpu.sem_alloc : memref<!tpu.dma_semaphore, #tpu.memory_space<semaphore_mem>>
      tpu.enqueue_dma source(%arg3 : memref<52xi32, #tpu.memory_space<hbm>>) target(%arg7 : memref<52xi32, #tpu.memory_space<vmem>>) target_semaphore(%run_scoped3A : memref<!tpu.dma_semaphore, #tpu.memory_space<semaphore_mem>>)
      tpu.wait_dma2 semaphore(%run_scoped3A : memref<!tpu.dma_semaphore, #tpu.memory_space<semaphore_mem>>) src(%arg3 : memref<52xi32, #tpu.memory_space<hbm>>) dst(%arg7 : memref<52xi32, #tpu.memory_space<vmem>>)
      tpu.yield
    }) : () -> ()
    %dma_start3A = arith.constant 0 : i32
    %dma_start3A_3 = tpu.memref_slice %arg2[%mul3A_2, %dma_start3A] : memref<16384x52xf32, #tpu.memory_space<hbm>> -> memref<512x52xf32, #tpu.memory_space<hbm>>
    %dma_start3A_4 = arith.constant 0 : i32
    %dma_start3A_5 = tpu.memref_slice %arg2[%mul3A_2, %dma_start3A_4] : memref<16384x52xf32, #tpu.memory_space<hbm>> -> memref<512x52xf32, #tpu.memory_space<hbm>>
    tpu.enqueue_dma source(%dma_start3A_5 : memref<512x52xf32, #tpu.memory_space<hbm>>) target(%arg5 : memref<512x52xf32, #tpu.memory_space<vmem>>) target_semaphore(%arg8 : memref<!tpu.dma_semaphore, #tpu.memory_space<semaphore_mem>>)
    %iota3A = tpu.iota {dimensions = array<i32: 0>} : vector<16xi32>
    %dma_wait3A = arith.constant 0 : i32
    %dma_wait3A_6 = tpu.memref_slice %arg2[%mul3A_2, %dma_wait3A] : memref<16384x52xf32, #tpu.memory_space<hbm>> -> memref<512x52xf32, #tpu.memory_space<hbm>>
    %dma_wait3A_7 = arith.constant 0 : i32
    %dma_wait3A_8 = tpu.memref_slice %arg2[%mul3A_2, %dma_wait3A_7] : memref<16384x52xf32, #tpu.memory_space<hbm>> -> memref<512x52xf32, #tpu.memory_space<hbm>>
    tpu.wait_dma2 semaphore(%arg8 : memref<!tpu.dma_semaphore, #tpu.memory_space<semaphore_mem>>) src(%dma_wait3A_8 : memref<512x52xf32, #tpu.memory_space<hbm>>) dst(%arg5 : memref<512x52xf32, #tpu.memory_space<vmem>>)
    %scan3A = arith.constant 0 : i32
    %scan3A_9 = arith.constant 0 : i32
    %scan3A_10 = arith.constant 32 : i32
    %scan3A_11 = arith.addi %scan3A_9, %scan3A_10 : i32
    %scan3A_12 = arith.constant 1 : i32
    scf.for %scan3A_14 = %scan3A_9 to %scan3A_11 step %scan3A_12  : i32 {
      %mul3A_15 = arith.constant 16 : i32
      %mul3A_16 = arith.muli %scan3A_14, %mul3A_15 : i32
      %add3A_17 = vector.broadcast %mul3A_16 : i32 to vector<16xi32>
      %add3A_18 = arith.addi %add3A_17, %iota3A : vector<16xi32>
      %broadcast_in_dim3A = arith.constant 0 : i32
      %broadcast_in_dim3A_19 = vector.broadcast %broadcast_in_dim3A : i32 to vector<16xi32>
      %gather3A = tpu.vector_load_idx %arg5[%add3A_18, %broadcast_in_dim3A_19] : memref<512x52xf32, #tpu.memory_space<vmem>>[vector<16xi32>, vector<16xi32>], vector<16xf32>,
      %broadcast_in_dim3A_20 = arith.constant 1 : i32
      %broadcast_in_dim3A_21 = vector.broadcast %broadcast_in_dim3A_20 : i32 to vector<16xi32>
      %gather3A_22 = tpu.vector_load_idx %arg5[%add3A_18, %broadcast_in_dim3A_21] : memref<512x52xf32, #tpu.memory_space<vmem>>[vector<16xi32>, vector<16xi32>], vector<16xf32>,
      %gt3A = arith.cmpf ogt, %gather3A_22, %gather3A : vector<16xf32>
      %select_n3A = arith.select %gt3A, %gather3A_22, %gather3A : vector<16xi1>, vector<16xf32>
      %select_n3A_23 = arith.select %gt3A, %broadcast_in_dim3A_21, %broadcast_in_dim3A_19 : vector<16xi1>, vector<16xi32>
      %broadcast_in_dim3A_24 = arith.constant 2 : i32
      %broadcast_in_dim3A_25 = vector.broadcast %broadcast_in_dim3A_24 : i32 to vector<16xi32>
      %gather3A_26 = tpu.vector_load_idx %arg5[%add3A_18, %broadcast_in_dim3A_25] : memref<512x52xf32, #tpu.memory_space<vmem>>[vector<16xi32>, vector<16xi32>], vector<16xf32>,
      %gt3A_27 = arith.cmpf ogt, %gather3A_26, %select_n3A : vector<16xf32>
      %select_n3A_28 = arith.select %gt3A_27, %gather3A_26, %select_n3A : vector<16xi1>, vector<16xf32>
      %select_n3A_29 = arith.select %gt3A_27, %broadcast_in_dim3A_25, %select_n3A_23 : vector<16xi1>, vector<16xi32>
      %broadcast_in_dim3A_30 = arith.constant 3 : i32
      %broadcast_in_dim3A_31 = vector.broadcast %broadcast_in_dim3A_30 : i32 to vector<16xi32>
      %gather3A_32 = tpu.vector_load_idx %arg5[%add3A_18, %broadcast_in_dim3A_31] : memref<512x52xf32, #tpu.memory_space<vmem>>[vector<16xi32>, vector<16xi32>], vector<16xf32>,
      %gt3A_33 = arith.cmpf ogt, %gather3A_32, %select_n3A_28 : vector<16xf32>
      %select_n3A_34 = arith.select %gt3A_33, %gather3A_32, %select_n3A_28 : vector<16xi1>, vector<16xf32>
      %select_n3A_35 = arith.select %gt3A_33, %broadcast_in_dim3A_31, %select_n3A_29 : vector<16xi1>, vector<16xi32>
      %broadcast_in_dim3A_36 = arith.constant 4 : i32
      %broadcast_in_dim3A_37 = vector.broadcast %broadcast_in_dim3A_36 : i32 to vector<16xi32>
      %gather3A_38 = tpu.vector_load_idx %arg5[%add3A_18, %broadcast_in_dim3A_37] : memref<512x52xf32, #tpu.memory_space<vmem>>[vector<16xi32>, vector<16xi32>], vector<16xf32>,
      %gt3A_39 = arith.cmpf ogt, %gather3A_38, %select_n3A_34 : vector<16xf32>
      %select_n3A_40 = arith.select %gt3A_39, %gather3A_38, %select_n3A_34 : vector<16xi1>, vector<16xf32>
      %select_n3A_41 = arith.select %gt3A_39, %broadcast_in_dim3A_37, %select_n3A_35 : vector<16xi1>, vector<16xi32>
      %broadcast_in_dim3A_42 = arith.constant 5 : i32
      %broadcast_in_dim3A_43 = vector.broadcast %broadcast_in_dim3A_42 : i32 to vector<16xi32>
      %gather3A_44 = tpu.vector_load_idx %arg5[%add3A_18, %broadcast_in_dim3A_43] : memref<512x52xf32, #tpu.memory_space<vmem>>[vector<16xi32>, vector<16xi32>], vector<16xf32>,
      %gt3A_45 = arith.cmpf ogt, %gather3A_44, %select_n3A_40 : vector<16xf32>
      %select_n3A_46 = arith.select %gt3A_45, %gather3A_44, %select_n3A_40 : vector<16xi1>, vector<16xf32>
      %select_n3A_47 = arith.select %gt3A_45, %broadcast_in_dim3A_43, %select_n3A_41 : vector<16xi1>, vector<16xi32>
      %broadcast_in_dim3A_48 = arith.constant 6 : i32
      %broadcast_in_dim3A_49 = vector.broadcast %broadcast_in_dim3A_48 : i32 to vector<16xi32>
      %gather3A_50 = tpu.vector_load_idx %arg5[%add3A_18, %broadcast_in_dim3A_49] : memref<512x52xf32, #tpu.memory_space<vmem>>[vector<16xi32>, vector<16xi32>], vector<16xf32>,
      %gt3A_51 = arith.cmpf ogt, %gather3A_50, %select_n3A_46 : vector<16xf32>
      %select_n3A_52 = arith.select %gt3A_51, %gather3A_50, %select_n3A_46 : vector<16xi1>, vector<16xf32>
      %select_n3A_53 = arith.select %gt3A_51, %broadcast_in_dim3A_49, %select_n3A_47 : vector<16xi1>, vector<16xi32>
      %broadcast_in_dim3A_54 = arith.constant 7 : i32
      %broadcast_in_dim3A_55 = vector.broadcast %broadcast_in_dim3A_54 : i32 to vector<16xi32>
      %gather3A_56 = tpu.vector_load_idx %arg5[%add3A_18, %broadcast_in_dim3A_55] : memref<512x52xf32, #tpu.memory_space<vmem>>[vector<16xi32>, vector<16xi32>], vector<16xf32>,
      %gt3A_57 = arith.cmpf ogt, %gather3A_56, %select_n3A_52 : vector<16xf32>
      %select_n3A_58 = arith.select %gt3A_57, %gather3A_56, %select_n3A_52 : vector<16xi1>, vector<16xf32>
      %select_n3A_59 = arith.select %gt3A_57, %broadcast_in_dim3A_55, %select_n3A_53 : vector<16xi1>, vector<16xi32>
      %broadcast_in_dim3A_60 = arith.constant 8 : i32
      %broadcast_in_dim3A_61 = vector.broadcast %broadcast_in_dim3A_60 : i32 to vector<16xi32>
      %gather3A_62 = tpu.vector_load_idx %arg5[%add3A_18, %broadcast_in_dim3A_61] : memref<512x52xf32, #tpu.memory_space<vmem>>[vector<16xi32>, vector<16xi32>], vector<16xf32>,
      %gt3A_63 = arith.cmpf ogt, %gather3A_62, %select_n3A_58 : vector<16xf32>
      %select_n3A_64 = arith.select %gt3A_63, %gather3A_62, %select_n3A_58 : vector<16xi1>, vector<16xf32>
      %select_n3A_65 = arith.select %gt3A_63, %broadcast_in_dim3A_61, %select_n3A_59 : vector<16xi1>, vector<16xi32>
      %broadcast_in_dim3A_66 = arith.constant 9 : i32
      %broadcast_in_dim3A_67 = vector.broadcast %broadcast_in_dim3A_66 : i32 to vector<16xi32>
      %gather3A_68 = tpu.vector_load_idx %arg5[%add3A_18, %broadcast_in_dim3A_67] : memref<512x52xf32, #tpu.memory_space<vmem>>[vector<16xi32>, vector<16xi32>], vector<16xf32>,
      %gt3A_69 = arith.cmpf ogt, %gather3A_68, %select_n3A_64 : vector<16xf32>
      %select_n3A_70 = arith.select %gt3A_69, %gather3A_68, %select_n3A_64 : vector<16xi1>, vector<16xf32>
      %select_n3A_71 = arith.select %gt3A_69, %broadcast_in_dim3A_67, %select_n3A_65 : vector<16xi1>, vector<16xi32>
      %broadcast_in_dim3A_72 = arith.constant 10 : i32
      %broadcast_in_dim3A_73 = vector.broadcast %broadcast_in_dim3A_72 : i32 to vector<16xi32>
      %gather3A_74 = tpu.vector_load_idx %arg5[%add3A_18, %broadcast_in_dim3A_73] : memref<512x52xf32, #tpu.memory_space<vmem>>[vector<16xi32>, vector<16xi32>], vector<16xf32>,
      %gt3A_75 = arith.cmpf ogt, %gather3A_74, %select_n3A_70 : vector<16xf32>
      %select_n3A_76 = arith.select %gt3A_75, %gather3A_74, %select_n3A_70 : vector<16xi1>, vector<16xf32>
      %select_n3A_77 = arith.select %gt3A_75, %broadcast_in_dim3A_73, %select_n3A_71 : vector<16xi1>, vector<16xi32>
      %broadcast_in_dim3A_78 = arith.constant 11 : i32
      %broadcast_in_dim3A_79 = vector.broadcast %broadcast_in_dim3A_78 : i32 to vector<16xi32>
      %gather3A_80 = tpu.vector_load_idx %arg5[%add3A_18, %broadcast_in_dim3A_79] : memref<512x52xf32, #tpu.memory_space<vmem>>[vector<16xi32>, vector<16xi32>], vector<16xf32>,
      %gt3A_81 = arith.cmpf ogt, %gather3A_80, %select_n3A_76 : vector<16xf32>
      %select_n3A_82 = arith.select %gt3A_81, %gather3A_80, %select_n3A_76 : vector<16xi1>, vector<16xf32>
      %select_n3A_83 = arith.select %gt3A_81, %broadcast_in_dim3A_79, %select_n3A_77 : vector<16xi1>, vector<16xi32>
      %broadcast_in_dim3A_84 = arith.constant 12 : i32
      %broadcast_in_dim3A_85 = vector.broadcast %broadcast_in_dim3A_84 : i32 to vector<16xi32>
      %gather3A_86 = tpu.vector_load_idx %arg5[%add3A_18, %broadcast_in_dim3A_85] : memref<512x52xf32, #tpu.memory_space<vmem>>[vector<16xi32>, vector<16xi32>], vector<16xf32>,
      %gt3A_87 = arith.cmpf ogt, %gather3A_86, %select_n3A_82 : vector<16xf32>
      %select_n3A_88 = arith.select %gt3A_87, %gather3A_86, %select_n3A_82 : vector<16xi1>, vector<16xf32>
      %select_n3A_89 = arith.select %gt3A_87, %broadcast_in_dim3A_85, %select_n3A_83 : vector<16xi1>, vector<16xi32>
      %broadcast_in_dim3A_90 = arith.constant 13 : i32
      %broadcast_in_dim3A_91 = vector.broadcast %broadcast_in_dim3A_90 : i32 to vector<16xi32>
      %gather3A_92 = tpu.vector_load_idx %arg5[%add3A_18, %broadcast_in_dim3A_91] : memref<512x52xf32, #tpu.memory_space<vmem>>[vector<16xi32>, vector<16xi32>], vector<16xf32>,
      %gt3A_93 = arith.cmpf ogt, %gather3A_92, %select_n3A_88 : vector<16xf32>
      %select_n3A_94 = arith.select %gt3A_93, %gather3A_92, %select_n3A_88 : vector<16xi1>, vector<16xf32>
      %select_n3A_95 = arith.select %gt3A_93, %broadcast_in_dim3A_91, %select_n3A_89 : vector<16xi1>, vector<16xi32>
      %broadcast_in_dim3A_96 = arith.constant 14 : i32
      %broadcast_in_dim3A_97 = vector.broadcast %broadcast_in_dim3A_96 : i32 to vector<16xi32>
      %gather3A_98 = tpu.vector_load_idx %arg5[%add3A_18, %broadcast_in_dim3A_97] : memref<512x52xf32, #tpu.memory_space<vmem>>[vector<16xi32>, vector<16xi32>], vector<16xf32>,
      %gt3A_99 = arith.cmpf ogt, %gather3A_98, %select_n3A_94 : vector<16xf32>
      %select_n3A_100 = arith.select %gt3A_99, %gather3A_98, %select_n3A_94 : vector<16xi1>, vector<16xf32>
      %select_n3A_101 = arith.select %gt3A_99, %broadcast_in_dim3A_97, %select_n3A_95 : vector<16xi1>, vector<16xi32>
      %broadcast_in_dim3A_102 = arith.constant 15 : i32
      %broadcast_in_dim3A_103 = vector.broadcast %broadcast_in_dim3A_102 : i32 to vector<16xi32>
      %gather3A_104 = tpu.vector_load_idx %arg5[%add3A_18, %broadcast_in_dim3A_103] : memref<512x52xf32, #tpu.memory_space<vmem>>[vector<16xi32>, vector<16xi32>], vector<16xf32>,
      %gt3A_105 = arith.cmpf ogt, %gather3A_104, %select_n3A_100 : vector<16xf32>
      %select_n3A_106 = arith.select %gt3A_105, %gather3A_104, %select_n3A_100 : vector<16xi1>, vector<16xf32>
      %select_n3A_107 = arith.select %gt3A_105, %broadcast_in_dim3A_103, %select_n3A_101 : vector<16xi1>, vector<16xi32>
      %broadcast_in_dim3A_108 = arith.constant 16 : i32
      %broadcast_in_dim3A_109 = vector.broadcast %broadcast_in_dim3A_108 : i32 to vector<16xi32>
      %gather3A_110 = tpu.vector_load_idx %arg5[%add3A_18, %broadcast_in_dim3A_109] : memref<512x52xf32, #tpu.memory_space<vmem>>[vector<16xi32>, vector<16xi32>], vector<16xf32>,
      %gt3A_111 = arith.cmpf ogt, %gather3A_110, %select_n3A_106 : vector<16xf32>
      %select_n3A_112 = arith.select %gt3A_111, %gather3A_110, %select_n3A_106 : vector<16xi1>, vector<16xf32>
      %select_n3A_113 = arith.select %gt3A_111, %broadcast_in_dim3A_109, %select_n3A_107 : vector<16xi1>, vector<16xi32>
      %broadcast_in_dim3A_114 = arith.constant 17 : i32
      %broadcast_in_dim3A_115 = vector.broadcast %broadcast_in_dim3A_114 : i32 to vector<16xi32>
      %gather3A_116 = tpu.vector_load_idx %arg5[%add3A_18, %broadcast_in_dim3A_115] : memref<512x52xf32, #tpu.memory_space<vmem>>[vector<16xi32>, vector<16xi32>], vector<16xf32>,
      %gt3A_117 = arith.cmpf ogt, %gather3A_116, %select_n3A_112 : vector<16xf32>
      %select_n3A_118 = arith.select %gt3A_117, %gather3A_116, %select_n3A_112 : vector<16xi1>, vector<16xf32>
      %select_n3A_119 = arith.select %gt3A_117, %broadcast_in_dim3A_115, %select_n3A_113 : vector<16xi1>, vector<16xi32>
      %broadcast_in_dim3A_120 = arith.constant 18 : i32
      %broadcast_in_dim3A_121 = vector.broadcast %broadcast_in_dim3A_120 : i32 to vector<16xi32>
      %gather3A_122 = tpu.vector_load_idx %arg5[%add3A_18, %broadcast_in_dim3A_121] : memref<512x52xf32, #tpu.memory_space<vmem>>[vector<16xi32>, vector<16xi32>], vector<16xf32>,
      %gt3A_123 = arith.cmpf ogt, %gather3A_122, %select_n3A_118 : vector<16xf32>
      %select_n3A_124 = arith.select %gt3A_123, %gather3A_122, %select_n3A_118 : vector<16xi1>, vector<16xf32>
      %select_n3A_125 = arith.select %gt3A_123, %broadcast_in_dim3A_121, %select_n3A_119 : vector<16xi1>, vector<16xi32>
      %broadcast_in_dim3A_126 = arith.constant 19 : i32
      %broadcast_in_dim3A_127 = vector.broadcast %broadcast_in_dim3A_126 : i32 to vector<16xi32>
      %gather3A_128 = tpu.vector_load_idx %arg5[%add3A_18, %broadcast_in_dim3A_127] : memref<512x52xf32, #tpu.memory_space<vmem>>[vector<16xi32>, vector<16xi32>], vector<16xf32>,
      %gt3A_129 = arith.cmpf ogt, %gather3A_128, %select_n3A_124 : vector<16xf32>
      %select_n3A_130 = arith.select %gt3A_129, %gather3A_128, %select_n3A_124 : vector<16xi1>, vector<16xf32>
      %select_n3A_131 = arith.select %gt3A_129, %broadcast_in_dim3A_127, %select_n3A_125 : vector<16xi1>, vector<16xi32>
      %broadcast_in_dim3A_132 = arith.constant 20 : i32
      %broadcast_in_dim3A_133 = vector.broadcast %broadcast_in_dim3A_132 : i32 to vector<16xi32>
      %gather3A_134 = tpu.vector_load_idx %arg5[%add3A_18, %broadcast_in_dim3A_133] : memref<512x52xf32, #tpu.memory_space<vmem>>[vector<16xi32>, vector<16xi32>], vector<16xf32>,
      %gt3A_135 = arith.cmpf ogt, %gather3A_134, %select_n3A_130 : vector<16xf32>
      %select_n3A_136 = arith.select %gt3A_135, %gather3A_134, %select_n3A_130 : vector<16xi1>, vector<16xf32>
      %select_n3A_137 = arith.select %gt3A_135, %broadcast_in_dim3A_133, %select_n3A_131 : vector<16xi1>, vector<16xi32>
      %broadcast_in_dim3A_138 = arith.constant 21 : i32
      %broadcast_in_dim3A_139 = vector.broadcast %broadcast_in_dim3A_138 : i32 to vector<16xi32>
      %gather3A_140 = tpu.vector_load_idx %arg5[%add3A_18, %broadcast_in_dim3A_139] : memref<512x52xf32, #tpu.memory_space<vmem>>[vector<16xi32>, vector<16xi32>], vector<16xf32>,
      %gt3A_141 = arith.cmpf ogt, %gather3A_140, %select_n3A_136 : vector<16xf32>
      %select_n3A_142 = arith.select %gt3A_141, %gather3A_140, %select_n3A_136 : vector<16xi1>, vector<16xf32>
      %select_n3A_143 = arith.select %gt3A_141, %broadcast_in_dim3A_139, %select_n3A_137 : vector<16xi1>, vector<16xi32>
      %broadcast_in_dim3A_144 = arith.constant 22 : i32
      %broadcast_in_dim3A_145 = vector.broadcast %broadcast_in_dim3A_144 : i32 to vector<16xi32>
      %gather3A_146 = tpu.vector_load_idx %arg5[%add3A_18, %broadcast_in_dim3A_145] : memref<512x52xf32, #tpu.memory_space<vmem>>[vector<16xi32>, vector<16xi32>], vector<16xf32>,
      %gt3A_147 = arith.cmpf ogt, %gather3A_146, %select_n3A_142 : vector<16xf32>
      %select_n3A_148 = arith.select %gt3A_147, %gather3A_146, %select_n3A_142 : vector<16xi1>, vector<16xf32>
      %select_n3A_149 = arith.select %gt3A_147, %broadcast_in_dim3A_145, %select_n3A_143 : vector<16xi1>, vector<16xi32>
      %broadcast_in_dim3A_150 = arith.constant 23 : i32
      %broadcast_in_dim3A_151 = vector.broadcast %broadcast_in_dim3A_150 : i32 to vector<16xi32>
      %gather3A_152 = tpu.vector_load_idx %arg5[%add3A_18, %broadcast_in_dim3A_151] : memref<512x52xf32, #tpu.memory_space<vmem>>[vector<16xi32>, vector<16xi32>], vector<16xf32>,
      %gt3A_153 = arith.cmpf ogt, %gather3A_152, %select_n3A_148 : vector<16xf32>
      %select_n3A_154 = arith.select %gt3A_153, %gather3A_152, %select_n3A_148 : vector<16xi1>, vector<16xf32>
      %select_n3A_155 = arith.select %gt3A_153, %broadcast_in_dim3A_151, %select_n3A_149 : vector<16xi1>, vector<16xi32>
      %broadcast_in_dim3A_156 = arith.constant 24 : i32
      %broadcast_in_dim3A_157 = vector.broadcast %broadcast_in_dim3A_156 : i32 to vector<16xi32>
      %gather3A_158 = tpu.vector_load_idx %arg5[%add3A_18, %broadcast_in_dim3A_157] : memref<512x52xf32, #tpu.memory_space<vmem>>[vector<16xi32>, vector<16xi32>], vector<16xf32>,
      %gt3A_159 = arith.cmpf ogt, %gather3A_158, %select_n3A_154 : vector<16xf32>
      %select_n3A_160 = arith.select %gt3A_159, %gather3A_158, %select_n3A_154 : vector<16xi1>, vector<16xf32>
      %select_n3A_161 = arith.select %gt3A_159, %broadcast_in_dim3A_157, %select_n3A_155 : vector<16xi1>, vector<16xi32>
      %broadcast_in_dim3A_162 = arith.constant 25 : i32
      %broadcast_in_dim3A_163 = vector.broadcast %broadcast_in_dim3A_162 : i32 to vector<16xi32>
      %gather3A_164 = tpu.vector_load_idx %arg5[%add3A_18, %broadcast_in_dim3A_163] : memref<512x52xf32, #tpu.memory_space<vmem>>[vector<16xi32>, vector<16xi32>], vector<16xf32>,
      %gt3A_165 = arith.cmpf ogt, %gather3A_164, %select_n3A_160 : vector<16xf32>
      %select_n3A_166 = arith.select %gt3A_165, %gather3A_164, %select_n3A_160 : vector<16xi1>, vector<16xf32>
      %select_n3A_167 = arith.select %gt3A_165, %broadcast_in_dim3A_163, %select_n3A_161 : vector<16xi1>, vector<16xi32>
      %broadcast_in_dim3A_168 = arith.constant 26 : i32
      %broadcast_in_dim3A_169 = vector.broadcast %broadcast_in_dim3A_168 : i32 to vector<16xi32>
      %gather3A_170 = tpu.vector_load_idx %arg5[%add3A_18, %broadcast_in_dim3A_169] : memref<512x52xf32, #tpu.memory_space<vmem>>[vector<16xi32>, vector<16xi32>], vector<16xf32>,
      %broadcast_in_dim3A_171 = arith.constant 27 : i32
      %broadcast_in_dim3A_172 = vector.broadcast %broadcast_in_dim3A_171 : i32 to vector<16xi32>
      %gather3A_173 = tpu.vector_load_idx %arg5[%add3A_18, %broadcast_in_dim3A_172] : memref<512x52xf32, #tpu.memory_space<vmem>>[vector<16xi32>, vector<16xi32>], vector<16xf32>,
      %gt3A_174 = arith.cmpf ogt, %gather3A_173, %gather3A_170 : vector<16xf32>
      %select_n3A_175 = arith.select %gt3A_174, %gather3A_173, %gather3A_170 : vector<16xi1>, vector<16xf32>
      %select_n3A_176 = arith.select %gt3A_174, %broadcast_in_dim3A_172, %broadcast_in_dim3A_169 : vector<16xi1>, vector<16xi32>
      %broadcast_in_dim3A_177 = arith.constant 28 : i32
      %broadcast_in_dim3A_178 = vector.broadcast %broadcast_in_dim3A_177 : i32 to vector<16xi32>
      %gather3A_179 = tpu.vector_load_idx %arg5[%add3A_18, %broadcast_in_dim3A_178] : memref<512x52xf32, #tpu.memory_space<vmem>>[vector<16xi32>, vector<16xi32>], vector<16xf32>,
      %gt3A_180 = arith.cmpf ogt, %gather3A_179, %select_n3A_175 : vector<16xf32>
      %select_n3A_181 = arith.select %gt3A_180, %gather3A_179, %select_n3A_175 : vector<16xi1>, vector<16xf32>
      %select_n3A_182 = arith.select %gt3A_180, %broadcast_in_dim3A_178, %select_n3A_176 : vector<16xi1>, vector<16xi32>
      %broadcast_in_dim3A_183 = arith.constant 29 : i32
      %broadcast_in_dim3A_184 = vector.broadcast %broadcast_in_dim3A_183 : i32 to vector<16xi32>
      %gather3A_185 = tpu.vector_load_idx %arg5[%add3A_18, %broadcast_in_dim3A_184] : memref<512x52xf32, #tpu.memory_space<vmem>>[vector<16xi32>, vector<16xi32>], vector<16xf32>,
      %gt3A_186 = arith.cmpf ogt, %gather3A_185, %select_n3A_181 : vector<16xf32>
      %select_n3A_187 = arith.select %gt3A_186, %gather3A_185, %select_n3A_181 : vector<16xi1>, vector<16xf32>
      %select_n3A_188 = arith.select %gt3A_186, %broadcast_in_dim3A_184, %select_n3A_182 : vector<16xi1>, vector<16xi32>
      %broadcast_in_dim3A_189 = arith.constant 30 : i32
      %broadcast_in_dim3A_190 = vector.broadcast %broadcast_in_dim3A_189 : i32 to vector<16xi32>
      %gather3A_191 = tpu.vector_load_idx %arg5[%add3A_18, %broadcast_in_dim3A_190] : memref<512x52xf32, #tpu.memory_space<vmem>>[vector<16xi32>, vector<16xi32>], vector<16xf32>,
      %gt3A_192 = arith.cmpf ogt, %gather3A_191, %select_n3A_187 : vector<16xf32>
      %select_n3A_193 = arith.select %gt3A_192, %gather3A_191, %select_n3A_187 : vector<16xi1>, vector<16xf32>
      %select_n3A_194 = arith.select %gt3A_192, %broadcast_in_dim3A_190, %select_n3A_188 : vector<16xi1>, vector<16xi32>
      %broadcast_in_dim3A_195 = arith.constant 31 : i32
      %broadcast_in_dim3A_196 = vector.broadcast %broadcast_in_dim3A_195 : i32 to vector<16xi32>
      %gather3A_197 = tpu.vector_load_idx %arg5[%add3A_18, %broadcast_in_dim3A_196] : memref<512x52xf32, #tpu.memory_space<vmem>>[vector<16xi32>, vector<16xi32>], vector<16xf32>,
      %gt3A_198 = arith.cmpf ogt, %gather3A_197, %select_n3A_193 : vector<16xf32>
      %select_n3A_199 = arith.select %gt3A_198, %gather3A_197, %select_n3A_193 : vector<16xi1>, vector<16xf32>
      %select_n3A_200 = arith.select %gt3A_198, %broadcast_in_dim3A_196, %select_n3A_194 : vector<16xi1>, vector<16xi32>
      %broadcast_in_dim3A_201 = arith.constant 32 : i32
      %broadcast_in_dim3A_202 = vector.broadcast %broadcast_in_dim3A_201 : i32 to vector<16xi32>
      %gather3A_203 = tpu.vector_load_idx %arg5[%add3A_18, %broadcast_in_dim3A_202] : memref<512x52xf32, #tpu.memory_space<vmem>>[vector<16xi32>, vector<16xi32>], vector<16xf32>,
      %gt3A_204 = arith.cmpf ogt, %gather3A_203, %select_n3A_199 : vector<16xf32>
      %select_n3A_205 = arith.select %gt3A_204, %gather3A_203, %select_n3A_199 : vector<16xi1>, vector<16xf32>
      %select_n3A_206 = arith.select %gt3A_204, %broadcast_in_dim3A_202, %select_n3A_200 : vector<16xi1>, vector<16xi32>
      %broadcast_in_dim3A_207 = arith.constant 33 : i32
      %broadcast_in_dim3A_208 = vector.broadcast %broadcast_in_dim3A_207 : i32 to vector<16xi32>
      %gather3A_209 = tpu.vector_load_idx %arg5[%add3A_18, %broadcast_in_dim3A_208] : memref<512x52xf32, #tpu.memory_space<vmem>>[vector<16xi32>, vector<16xi32>], vector<16xf32>,
      %gt3A_210 = arith.cmpf ogt, %gather3A_209, %select_n3A_205 : vector<16xf32>
      %select_n3A_211 = arith.select %gt3A_210, %gather3A_209, %select_n3A_205 : vector<16xi1>, vector<16xf32>
      %select_n3A_212 = arith.select %gt3A_210, %broadcast_in_dim3A_208, %select_n3A_206 : vector<16xi1>, vector<16xi32>
      %broadcast_in_dim3A_213 = arith.constant 34 : i32
      %broadcast_in_dim3A_214 = vector.broadcast %broadcast_in_dim3A_213 : i32 to vector<16xi32>
      %gather3A_215 = tpu.vector_load_idx %arg5[%add3A_18, %broadcast_in_dim3A_214] : memref<512x52xf32, #tpu.memory_space<vmem>>[vector<16xi32>, vector<16xi32>], vector<16xf32>,
      %gt3A_216 = arith.cmpf ogt, %gather3A_215, %select_n3A_211 : vector<16xf32>
      %select_n3A_217 = arith.select %gt3A_216, %gather3A_215, %select_n3A_211 : vector<16xi1>, vector<16xf32>
      %select_n3A_218 = arith.select %gt3A_216, %broadcast_in_dim3A_214, %select_n3A_212 : vector<16xi1>, vector<16xi32>
      %broadcast_in_dim3A_219 = arith.constant 35 : i32
      %broadcast_in_dim3A_220 = vector.broadcast %broadcast_in_dim3A_219 : i32 to vector<16xi32>
      %gather3A_221 = tpu.vector_load_idx %arg5[%add3A_18, %broadcast_in_dim3A_220] : memref<512x52xf32, #tpu.memory_space<vmem>>[vector<16xi32>, vector<16xi32>], vector<16xf32>,
      %gt3A_222 = arith.cmpf ogt, %gather3A_221, %select_n3A_217 : vector<16xf32>
      %select_n3A_223 = arith.select %gt3A_222, %gather3A_221, %select_n3A_217 : vector<16xi1>, vector<16xf32>
      %select_n3A_224 = arith.select %gt3A_222, %broadcast_in_dim3A_220, %select_n3A_218 : vector<16xi1>, vector<16xi32>
      %broadcast_in_dim3A_225 = arith.constant 36 : i32
      %broadcast_in_dim3A_226 = vector.broadcast %broadcast_in_dim3A_225 : i32 to vector<16xi32>
      %gather3A_227 = tpu.vector_load_idx %arg5[%add3A_18, %broadcast_in_dim3A_226] : memref<512x52xf32, #tpu.memory_space<vmem>>[vector<16xi32>, vector<16xi32>], vector<16xf32>,
      %gt3A_228 = arith.cmpf ogt, %gather3A_227, %select_n3A_223 : vector<16xf32>
      %select_n3A_229 = arith.select %gt3A_228, %gather3A_227, %select_n3A_223 : vector<16xi1>, vector<16xf32>
      %select_n3A_230 = arith.select %gt3A_228, %broadcast_in_dim3A_226, %select_n3A_224 : vector<16xi1>, vector<16xi32>
      %broadcast_in_dim3A_231 = arith.constant 37 : i32
      %broadcast_in_dim3A_232 = vector.broadcast %broadcast_in_dim3A_231 : i32 to vector<16xi32>
      %gather3A_233 = tpu.vector_load_idx %arg5[%add3A_18, %broadcast_in_dim3A_232] : memref<512x52xf32, #tpu.memory_space<vmem>>[vector<16xi32>, vector<16xi32>], vector<16xf32>,
      %gt3A_234 = arith.cmpf ogt, %gather3A_233, %select_n3A_229 : vector<16xf32>
      %select_n3A_235 = arith.select %gt3A_234, %gather3A_233, %select_n3A_229 : vector<16xi1>, vector<16xf32>
      %select_n3A_236 = arith.select %gt3A_234, %broadcast_in_dim3A_232, %select_n3A_230 : vector<16xi1>, vector<16xi32>
      %broadcast_in_dim3A_237 = arith.constant 38 : i32
      %broadcast_in_dim3A_238 = vector.broadcast %broadcast_in_dim3A_237 : i32 to vector<16xi32>
      %gather3A_239 = tpu.vector_load_idx %arg5[%add3A_18, %broadcast_in_dim3A_238] : memref<512x52xf32, #tpu.memory_space<vmem>>[vector<16xi32>, vector<16xi32>], vector<16xf32>,
      %gt3A_240 = arith.cmpf ogt, %gather3A_239, %select_n3A_235 : vector<16xf32>
      %select_n3A_241 = arith.select %gt3A_240, %gather3A_239, %select_n3A_235 : vector<16xi1>, vector<16xf32>
      %select_n3A_242 = arith.select %gt3A_240, %broadcast_in_dim3A_238, %select_n3A_236 : vector<16xi1>, vector<16xi32>
      %broadcast_in_dim3A_243 = arith.constant 39 : i32
      %broadcast_in_dim3A_244 = vector.broadcast %broadcast_in_dim3A_243 : i32 to vector<16xi32>
      %gather3A_245 = tpu.vector_load_idx %arg5[%add3A_18, %broadcast_in_dim3A_244] : memref<512x52xf32, #tpu.memory_space<vmem>>[vector<16xi32>, vector<16xi32>], vector<16xf32>,
      %gt3A_246 = arith.cmpf ogt, %gather3A_245, %select_n3A_241 : vector<16xf32>
      %select_n3A_247 = arith.select %gt3A_246, %gather3A_245, %select_n3A_241 : vector<16xi1>, vector<16xf32>
      %select_n3A_248 = arith.select %gt3A_246, %broadcast_in_dim3A_244, %select_n3A_242 : vector<16xi1>, vector<16xi32>
      %broadcast_in_dim3A_249 = arith.constant 40 : i32
      %broadcast_in_dim3A_250 = vector.broadcast %broadcast_in_dim3A_249 : i32 to vector<16xi32>
      %gather3A_251 = tpu.vector_load_idx %arg5[%add3A_18, %broadcast_in_dim3A_250] : memref<512x52xf32, #tpu.memory_space<vmem>>[vector<16xi32>, vector<16xi32>], vector<16xf32>,
      %gt3A_252 = arith.cmpf ogt, %gather3A_251, %select_n3A_247 : vector<16xf32>
      %select_n3A_253 = arith.select %gt3A_252, %gather3A_251, %select_n3A_247 : vector<16xi1>, vector<16xf32>
      %select_n3A_254 = arith.select %gt3A_252, %broadcast_in_dim3A_250, %select_n3A_248 : vector<16xi1>, vector<16xi32>
      %broadcast_in_dim3A_255 = arith.constant 41 : i32
      %broadcast_in_dim3A_256 = vector.broadcast %broadcast_in_dim3A_255 : i32 to vector<16xi32>
      %gather3A_257 = tpu.vector_load_idx %arg5[%add3A_18, %broadcast_in_dim3A_256] : memref<512x52xf32, #tpu.memory_space<vmem>>[vector<16xi32>, vector<16xi32>], vector<16xf32>,
      %gt3A_258 = arith.cmpf ogt, %gather3A_257, %select_n3A_253 : vector<16xf32>
      %select_n3A_259 = arith.select %gt3A_258, %gather3A_257, %select_n3A_253 : vector<16xi1>, vector<16xf32>
      %select_n3A_260 = arith.select %gt3A_258, %broadcast_in_dim3A_256, %select_n3A_254 : vector<16xi1>, vector<16xi32>
      %broadcast_in_dim3A_261 = arith.constant 42 : i32
      %broadcast_in_dim3A_262 = vector.broadcast %broadcast_in_dim3A_261 : i32 to vector<16xi32>
      %gather3A_263 = tpu.vector_load_idx %arg5[%add3A_18, %broadcast_in_dim3A_262] : memref<512x52xf32, #tpu.memory_space<vmem>>[vector<16xi32>, vector<16xi32>], vector<16xf32>,
      %gt3A_264 = arith.cmpf ogt, %gather3A_263, %select_n3A_259 : vector<16xf32>
      %select_n3A_265 = arith.select %gt3A_264, %gather3A_263, %select_n3A_259 : vector<16xi1>, vector<16xf32>
      %select_n3A_266 = arith.select %gt3A_264, %broadcast_in_dim3A_262, %select_n3A_260 : vector<16xi1>, vector<16xi32>
      %broadcast_in_dim3A_267 = arith.constant 43 : i32
      %broadcast_in_dim3A_268 = vector.broadcast %broadcast_in_dim3A_267 : i32 to vector<16xi32>
      %gather3A_269 = tpu.vector_load_idx %arg5[%add3A_18, %broadcast_in_dim3A_268] : memref<512x52xf32, #tpu.memory_space<vmem>>[vector<16xi32>, vector<16xi32>], vector<16xf32>,
      %gt3A_270 = arith.cmpf ogt, %gather3A_269, %select_n3A_265 : vector<16xf32>
      %select_n3A_271 = arith.select %gt3A_270, %gather3A_269, %select_n3A_265 : vector<16xi1>, vector<16xf32>
      %select_n3A_272 = arith.select %gt3A_270, %broadcast_in_dim3A_268, %select_n3A_266 : vector<16xi1>, vector<16xi32>
      %broadcast_in_dim3A_273 = arith.constant 44 : i32
      %broadcast_in_dim3A_274 = vector.broadcast %broadcast_in_dim3A_273 : i32 to vector<16xi32>
      %gather3A_275 = tpu.vector_load_idx %arg5[%add3A_18, %broadcast_in_dim3A_274] : memref<512x52xf32, #tpu.memory_space<vmem>>[vector<16xi32>, vector<16xi32>], vector<16xf32>,
      %gt3A_276 = arith.cmpf ogt, %gather3A_275, %select_n3A_271 : vector<16xf32>
      %select_n3A_277 = arith.select %gt3A_276, %gather3A_275, %select_n3A_271 : vector<16xi1>, vector<16xf32>
      %select_n3A_278 = arith.select %gt3A_276, %broadcast_in_dim3A_274, %select_n3A_272 : vector<16xi1>, vector<16xi32>
      %broadcast_in_dim3A_279 = arith.constant 45 : i32
      %broadcast_in_dim3A_280 = vector.broadcast %broadcast_in_dim3A_279 : i32 to vector<16xi32>
      %gather3A_281 = tpu.vector_load_idx %arg5[%add3A_18, %broadcast_in_dim3A_280] : memref<512x52xf32, #tpu.memory_space<vmem>>[vector<16xi32>, vector<16xi32>], vector<16xf32>,
      %gt3A_282 = arith.cmpf ogt, %gather3A_281, %select_n3A_277 : vector<16xf32>
      %select_n3A_283 = arith.select %gt3A_282, %gather3A_281, %select_n3A_277 : vector<16xi1>, vector<16xf32>
      %select_n3A_284 = arith.select %gt3A_282, %broadcast_in_dim3A_280, %select_n3A_278 : vector<16xi1>, vector<16xi32>
      %broadcast_in_dim3A_285 = arith.constant 46 : i32
      %broadcast_in_dim3A_286 = vector.broadcast %broadcast_in_dim3A_285 : i32 to vector<16xi32>
      %gather3A_287 = tpu.vector_load_idx %arg5[%add3A_18, %broadcast_in_dim3A_286] : memref<512x52xf32, #tpu.memory_space<vmem>>[vector<16xi32>, vector<16xi32>], vector<16xf32>,
      %gt3A_288 = arith.cmpf ogt, %gather3A_287, %select_n3A_283 : vector<16xf32>
      %select_n3A_289 = arith.select %gt3A_288, %gather3A_287, %select_n3A_283 : vector<16xi1>, vector<16xf32>
      %select_n3A_290 = arith.select %gt3A_288, %broadcast_in_dim3A_286, %select_n3A_284 : vector<16xi1>, vector<16xi32>
      %broadcast_in_dim3A_291 = arith.constant 47 : i32
      %broadcast_in_dim3A_292 = vector.broadcast %broadcast_in_dim3A_291 : i32 to vector<16xi32>
      %gather3A_293 = tpu.vector_load_idx %arg5[%add3A_18, %broadcast_in_dim3A_292] : memref<512x52xf32, #tpu.memory_space<vmem>>[vector<16xi32>, vector<16xi32>], vector<16xf32>,
      %gt3A_294 = arith.cmpf ogt, %gather3A_293, %select_n3A_289 : vector<16xf32>
      %select_n3A_295 = arith.select %gt3A_294, %gather3A_293, %select_n3A_289 : vector<16xi1>, vector<16xf32>
      %select_n3A_296 = arith.select %gt3A_294, %broadcast_in_dim3A_292, %select_n3A_290 : vector<16xi1>, vector<16xi32>
      %broadcast_in_dim3A_297 = arith.constant 48 : i32
      %broadcast_in_dim3A_298 = vector.broadcast %broadcast_in_dim3A_297 : i32 to vector<16xi32>
      %gather3A_299 = tpu.vector_load_idx %arg5[%add3A_18, %broadcast_in_dim3A_298] : memref<512x52xf32, #tpu.memory_space<vmem>>[vector<16xi32>, vector<16xi32>], vector<16xf32>,
      %gt3A_300 = arith.cmpf ogt, %gather3A_299, %select_n3A_295 : vector<16xf32>
      %select_n3A_301 = arith.select %gt3A_300, %gather3A_299, %select_n3A_295 : vector<16xi1>, vector<16xf32>
      %select_n3A_302 = arith.select %gt3A_300, %broadcast_in_dim3A_298, %select_n3A_296 : vector<16xi1>, vector<16xi32>
      %broadcast_in_dim3A_303 = arith.constant 49 : i32
      %broadcast_in_dim3A_304 = vector.broadcast %broadcast_in_dim3A_303 : i32 to vector<16xi32>
      %gather3A_305 = tpu.vector_load_idx %arg5[%add3A_18, %broadcast_in_dim3A_304] : memref<512x52xf32, #tpu.memory_space<vmem>>[vector<16xi32>, vector<16xi32>], vector<16xf32>,
      %gt3A_306 = arith.cmpf ogt, %gather3A_305, %select_n3A_301 : vector<16xf32>
      %select_n3A_307 = arith.select %gt3A_306, %gather3A_305, %select_n3A_301 : vector<16xi1>, vector<16xf32>
      %select_n3A_308 = arith.select %gt3A_306, %broadcast_in_dim3A_304, %select_n3A_302 : vector<16xi1>, vector<16xi32>
      %broadcast_in_dim3A_309 = arith.constant 50 : i32
      %broadcast_in_dim3A_310 = vector.broadcast %broadcast_in_dim3A_309 : i32 to vector<16xi32>
      %gather3A_311 = tpu.vector_load_idx %arg5[%add3A_18, %broadcast_in_dim3A_310] : memref<512x52xf32, #tpu.memory_space<vmem>>[vector<16xi32>, vector<16xi32>], vector<16xf32>,
      %gt3A_312 = arith.cmpf ogt, %gather3A_311, %select_n3A_307 : vector<16xf32>
      %select_n3A_313 = arith.select %gt3A_312, %gather3A_311, %select_n3A_307 : vector<16xi1>, vector<16xf32>
      %select_n3A_314 = arith.select %gt3A_312, %broadcast_in_dim3A_310, %select_n3A_308 : vector<16xi1>, vector<16xi32>
      %broadcast_in_dim3A_315 = arith.constant 51 : i32
      %broadcast_in_dim3A_316 = vector.broadcast %broadcast_in_dim3A_315 : i32 to vector<16xi32>
      %gather3A_317 = tpu.vector_load_idx %arg5[%add3A_18, %broadcast_in_dim3A_316] : memref<512x52xf32, #tpu.memory_space<vmem>>[vector<16xi32>, vector<16xi32>], vector<16xf32>,
      %gt3A_318 = arith.cmpf ogt, %gather3A_317, %select_n3A_313 : vector<16xf32>
      %select_n3A_319 = arith.select %gt3A_318, %gather3A_317, %select_n3A_313 : vector<16xi1>, vector<16xf32>
      %select_n3A_320 = arith.select %gt3A_318, %broadcast_in_dim3A_316, %select_n3A_314 : vector<16xi1>, vector<16xi32>
      %gt3A_321 = arith.cmpf ogt, %select_n3A_319, %select_n3A_166 : vector<16xf32>
      %select_n3A_322 = arith.select %gt3A_321, %select_n3A_320, %select_n3A_167 : vector<16xi1>, vector<16xi32>
      %gather3A_323 = tpu.vector_load_idx %arg7[%select_n3A_322] : memref<52xi32, #tpu.memory_space<vmem>>[vector<16xi32>], vector<16xi32>,
      %mul3A_324 = arith.constant 16 : i32
      %mul3A_325 = arith.muli %scan3A_14, %mul3A_324 : i32
      %swap3A = arith.index_cast %mul3A_325 : i32 to index
      %swap3A_326 = tpu.vector_load %arg6[%swap3A] {strides = array<i32>} : memref<512xi32, #tpu.memory_space<vmem>>, vector<16xi32>,
      tpu.vector_store %arg6[%swap3A], %gather3A_323 {strides = array<i32>} : memref<512xi32, #tpu.memory_space<vmem>>, vector<16xi32>,
    }
    %scan3A_13 = arith.constant 32 : i32
    "tpu.region"() ({
      %run_scoped3A = tpu.sem_alloc : memref<!tpu.dma_semaphore, #tpu.memory_space<semaphore_mem>>
      %dma_start3A_14 = tpu.memref_slice %arg4[%mul3A_2] : memref<16384xi32, #tpu.memory_space<hbm>> -> memref<512xi32, #tpu.memory_space<hbm>>
      %dma_start3A_15 = tpu.memref_slice %arg4[%mul3A_2] : memref<16384xi32, #tpu.memory_space<hbm>> -> memref<512xi32, #tpu.memory_space<hbm>>
      tpu.enqueue_dma source(%arg6 : memref<512xi32, #tpu.memory_space<vmem>>) target(%dma_start3A_15 : memref<512xi32, #tpu.memory_space<hbm>>) target_semaphore(%run_scoped3A : memref<!tpu.dma_semaphore, #tpu.memory_space<semaphore_mem>>)
      %dma_wait3A_16 = tpu.memref_slice %arg4[%mul3A_2] : memref<16384xi32, #tpu.memory_space<hbm>> -> memref<512xi32, #tpu.memory_space<hbm>>
      %dma_wait3A_17 = tpu.memref_slice %arg4[%mul3A_2] : memref<16384xi32, #tpu.memory_space<hbm>> -> memref<512xi32, #tpu.memory_space<hbm>>
      tpu.wait_dma2 semaphore(%run_scoped3A : memref<!tpu.dma_semaphore, #tpu.memory_space<semaphore_mem>>) src(%arg6 : memref<512xi32, #tpu.memory_space<vmem>>) dst(%dma_wait3A_17 : memref<512xi32, #tpu.memory_space<hbm>>)
      tpu.yield
    }) : () -> ()
    return
  }
}

module attributes {stable_mosaic.version = 14 : i64} {
  func.func @_tc_body(%arg0: i32, %arg1: memref<2048x128xf32, #tpu.memory_space<vmem>>, %arg2: memref<1x128xi32, #tpu.memory_space<vmem>>, %arg3: memref<2048x128xi32, #tpu.memory_space<vmem>>) attributes {dimension_semantics = [#tpu.dimension_semantics<arbitrary>], iteration_bounds = array<i64: 8>, scalar_prefetch = 0 : i64, scratch_operands = 0 : i64, tpu.core_type = #tpu.core_type<tc>, window_params = [{transform_indices = @transform_0, window_bounds = array<i64: 2048, 128>}, {pipeline_mode = #tpu.pipeline_mode<synchronous>, transform_indices = @transform_1, window_bounds = array<i64: 1, 128>}, {transform_indices = @transform_2, window_bounds = array<i64: 2048, 128>}]} {
    %get3A = arith.constant 0 : index
    %get3A_0 = arith.constant 0 : index
    %get3A_1 = vector.load %arg1[%get3A, %get3A_0] : memref<2048x128xf32, #tpu.memory_space<vmem>>, vector<2048x128xf32>
    %get3A_2 = arith.constant 0 : index
    %get3A_3 = arith.constant 0 : index
    %get3A_4 = vector.load %arg2[%get3A_2, %get3A_3] : memref<1x128xi32, #tpu.memory_space<vmem>>, vector<1x128xi32>
    %ge3A = arith.constant 5.000000e-01 : f32
    %ge3A_5 = vector.broadcast %ge3A : f32 to vector<2048x128xf32>
    %ge3A_6 = arith.cmpf oge, %get3A_1, %ge3A_5 : vector<2048x128xf32>
    %slice3A = vector.extract_strided_slice %get3A_4 {offsets = [0, 0], sizes = [1, 1], strides = [1, 1]} : vector<1x128xi32> to vector<1x1xi32>
    %squeeze3A = vector.extract %slice3A[0, 0] : i32 from vector<1x1xi32>
    %broadcast_in_dim3A = vector.shape_cast %get3A_4 : vector<1x128xi32> to vector<1x128xi32>
    %broadcast_in_dim3A_7 = vector.broadcast %broadcast_in_dim3A : vector<1x128xi32> to vector<2048x128xi32>
    %broadcast_in_dim3A_8 = vector.broadcast %squeeze3A : i32 to vector<2048x128xi32>
    %select_n3A = arith.select %ge3A_6, %broadcast_in_dim3A_7, %broadcast_in_dim3A_8 : vector<2048x128xi1>, vector<2048x128xi32>
    %swap3A = arith.constant 0 : index
    %swap3A_9 = arith.constant 0 : index
    %swap3A_10 = vector.load %arg3[%swap3A, %swap3A_9] : memref<2048x128xi32, #tpu.memory_space<vmem>>, vector<2048x128xi32>
    tpu.vector_store %arg3[%swap3A, %swap3A_9], %select_n3A {strides = array<i32>} : memref<2048x128xi32, #tpu.memory_space<vmem>>, vector<2048x128xi32>,
    return
  }
  func.func @transform_0(%arg0: i32) -> (i32, i32) {
    %c0_i32 = arith.constant 0 : i32
    %c0_i32_0 = arith.constant 0 : i32
    return %arg0, %c0_i32 : i32, i32
  }
  func.func @transform_1(%arg0: i32) -> (i32, i32) {
    %c0_i32 = arith.constant 0 : i32
    %c0_i32_0 = arith.constant 0 : i32
    %c0_i32_1 = arith.constant 0 : i32
    return %c0_i32, %c0_i32_0 : i32, i32
  }
  func.func @transform_2(%arg0: i32) -> (i32, i32) {
    %c0_i32 = arith.constant 0 : i32
    %c0_i32_0 = arith.constant 0 : i32
    return %arg0, %c0_i32 : i32, i32
  }
}

</mosaic_0001>

<sc_bundles>
// kernel: kernel.4.cloned.1.call-start
scs
__scs_entry_jumppad:
0x0: {  	(pc) =	sbr.rel $0x88, $3  }
0x1: {  	(tag) =	ssettag $0x0;
	lr =	simm.s32 $0x1  }
0x2: {  	[smem:$0x3F9D] =	sst lr;
	_ =	strace $0xD0000000  }
0x3: {  	_ = 	snop  }
0x4: {  	_ = 	snop  }
0x5: {  	_ = 	snop  }
0x6: {  	_ = 	snop  }
0x7: {  	_ = 	snop  }
__scs_overlays_trampoline_lowered:
0x8: {  	[smem:$0x3FAC] =	sst s0  }
0x9: {  	[smem:$0x3FAD] =	sst s1  }
0xa: {  	[smem:$0x3FAE] =	sst s2  }
0xb: {  	[smem:$0x3FAF] =	sst s3  }
0xc: {  	[smem:$0x3FB0] =	sst s4  }
0xd: {  	[smem:$0x3FB1] =	sst s5  }
0xe: {  	[smem:$0x3FB2] =	sst s6  }
0xf: {  	[smem:$0x3FB3] =	sst s7  }
0x10: {  	[smem:$0x3FB4] =	sst s8  }
0x11: {  	[smem:$0x3FB5] =	sst s9;
	s0 =	simm.s32 @!p0 $0x0  }
0x12: {  	s1 =	sld [smem:$0x3F9B];
	s0 =	simm.s32 @p0 $0x1  }
0x13: {  	[smem:$0x3FB6] =	sst s0;
	s0 =	simm.s32 @!p1 $0x0  }
0x14: {  	s2 =	sld [smem:$0x3F9A];
	s0 =	simm.s32 @p1 $0x1  }
0x15: {  	[smem:$0x3FB7] =	sst s0;
	s0 =	simm.s32 @!p2 $0x0  }
0x16: {  	s3 =	sld [smem:$0x3FDB];
	s0 =	simm.s32 @p2 $0x1  }
0x17: {  	s4 =	simm.s32 $0x1BF5;
	[smem:$0x3FB9] =	sst s0  }
0x18: {  	s0 =	sld [smem:$0x3F9C];
	_ =	swait.ge [sflag:s4], $0x0  }
0x19: {  	s7 =	sld [smem:$0x3F9D]  }
0x1a: {  	s8 =	sadd.s32 $0xFFFFE003, lr  }
0x1b: {  	s9 =	sadd.s32 $0xFFFFFEF7, lr;
	s5 =	simm.s32 $0xFFFFFFFF;
	p2 =	slt.u32 s8, $0xFFFFF086  }
0x1c: {  	p1 =	slt.u32 s9, $0xF7A;
	s5 =	simm.s32 @!p2 $0x0  }
0x1d: {  	s5 =	simm.s32 @p1 $0x1;
	p0 =	seq.s32 s7, s2  }
0x1e: {  	s7 =	smul.u32 @!p0 $0xF7A, s2;
	p2 =	seq.s32 @!p0 s5, $0x0  }
0x1f: {  	s9 =	smul.u32 $0xF7A, s1;
	s8 =	simm.s32 @!p0 $0x1BF5;
	p2 =	por !p2, p0  }
0x20: {  	[sflag:s8] =	ssyncset.s32 @!p0 $0xFFFFF086;
	s6 =	sadd.s32 @!p0 s3, s7;
	s7 =	simm.s32 @!p0 $0x108  }
0x21: {  	s3 =	sadd.s32 s3, s9;
	s6 =	sadd.s32 @!p0 $0x88, s6;
	s7 =	simm.s32 @p2 $0x1082  }
0x22: {  	[simem:s7], [sflag:s8] =	dma.local @!p0 [hbm:s6], $0xF7A  }
0x23: {  	s9 =	sor.u32 $0xD0000000, s2;
	s6 =	simm.s32 $0x108;
	_ =	swait.ge @!p0 [sflag:s8], $0x0  }
0x24: {  	s3 =	sadd.s32 $0x88, s3;
	s6 =	simm.s32 @!p1 $0x1082;
	[sflag:s4] =	ssyncset.s32 $0xFFFFF086  }
0x25: {  	[simem:s6], [sflag:s4] =	dma.local [hbm:s3], $0xF7A  }
0x26: {  	[smem:$0x3F9D] =	sst s1;
	(tag) =	ssettag s2;
	_ =	strace s9  }
0x27: {  	s1 =	sld [smem:$0x3FAD]  }
0x28: {  	s2 =	sld [smem:$0x3FAE]  }
0x29: {  	s4 =	sld [smem:$0x3FB0]  }
0x2a: {  	p0 =	seq.s32 s5, $0x0;
	s5 =	sld [smem:$0x3FB1]  }
0x2b: {  	s6 =	sld [smem:$0x3FB2]  }
0x2c: {  	s7 =	sld [smem:$0x3FB3]  }
0x2d: {  	s3 =	simm.s32 $0x108;
	s8 =	sld [smem:$0x3FB4]  }
0x2e: {  	s3 =	simm.s32 @!p0 $0x1082;
	s9 =	sld [smem:$0x3FB5]  }
0x2f: {  	lr =	sadd.s32 s0, s3;
	s0 =	sld [smem:$0x3FAC]  }
0x30: {  	s3 =	sld [smem:$0x3FAF]  }
0x31: {  	[smem:$0x3FB8] =	sst s10  }
0x32: {  	s10 =	sld [smem:$0x3FB6];
	_ =	sdelay $0x3  }
0x33: {  	p0 =	seq.s32 s10, $0x1;
	s10 =	sld [smem:$0x3FB8];
	_ =	sdelay $0x3  }
0x34: {  	[smem:$0x3FB8] =	sst s10  }
0x35: {  	s10 =	sld [smem:$0x3FB7];
	_ =	sdelay $0x3  }
0x36: {  	p1 =	seq.s32 s10, $0x1;
	s10 =	sld [smem:$0x3FB8];
	_ =	sdelay $0x3  }
0x37: {  	[smem:$0x3FB8] =	sst s10  }
0x38: {  	s10 =	sld [smem:$0x3FB9]  }
0x39: {  	_ = 	snop;
	(pc) =	sbr.ind lr, $3  }
0x3a: {  	_ = 	snop  }
0x3b: {  	_ = 	snop  }
0x3c: {  	p2 =	seq.s32 s10, $0x1;
	s10 =	sld [smem:$0x3FB8]  }
0x3d: {  	_ =	shalt  }
0x3e: {  	_ =	shalt  }
0x3f: {  	_ =	shalt  }
0x40: {  	_ =	shalt  }
0x41: {  	_ =	shalt  }
0x42: {  	_ =	shalt  }
0x43: {  	_ =	shalt  }
0x44: {  	_ =	shalt  }
0x45: {  	_ =	shalt  }
0x46: {  	_ =	shalt  }
0x47: {  	_ =	shalt  }
0x48: {  	_ =	shalt  }
0x49: {  	_ =	shalt  }
0x4a: {  	_ =	shalt  }
0x4b: {  	_ =	shalt  }
0x4c: {  	_ =	shalt  }
0x4d: {  	_ =	shalt  }
0x4e: {  	_ =	shalt  }
0x4f: {  	_ =	shalt  }
0x50: {  	_ =	shalt  }
0x51: {  	_ =	shalt  }
0x52: {  	_ =	shalt  }
0x53: {  	_ =	shalt  }
0x54: {  	_ =	shalt  }
0x55: {  	_ =	shalt  }
0x56: {  	_ =	shalt  }
0x57: {  	_ =	shalt  }
0x58: {  	_ =	shalt  }
0x59: {  	_ =	shalt  }
0x5a: {  	_ =	shalt  }
0x5b: {  	_ =	shalt  }
0x5c: {  	_ =	shalt  }
0x5d: {  	_ =	shalt  }
0x5e: {  	_ =	shalt  }
0x5f: {  	_ =	shalt  }
0x60: {  	_ =	shalt  }
0x61: {  	_ =	shalt  }
0x62: {  	_ =	shalt  }
0x63: {  	_ =	shalt  }
0x64: {  	_ =	shalt  }
0x65: {  	_ =	shalt  }
0x66: {  	_ =	shalt  }
0x67: {  	_ =	shalt  }
0x68: {  	_ =	shalt  }
0x69: {  	_ =	shalt  }
0x6a: {  	_ =	shalt  }
0x6b: {  	_ =	shalt  }
0x6c: {  	_ =	shalt  }
0x6d: {  	_ =	shalt  }
0x6e: {  	_ =	shalt  }
0x6f: {  	_ =	shalt  }
0x70: {  	_ =	shalt  }
0x71: {  	_ =	shalt  }
0x72: {  	_ =	shalt  }
0x73: {  	_ =	shalt  }
0x74: {  	_ =	shalt  }
0x75: {  	_ =	shalt  }
0x76: {  	_ =	shalt  }
0x77: {  	_ =	shalt  }
0x78: {  	_ =	shalt  }
0x79: {  	_ =	shalt  }
0x7a: {  	_ =	shalt  }
0x7b: {  	_ =	shalt  }
0x7c: {  	_ =	shalt  }
0x7d: {  	_ =	shalt  }
0x7e: {  	_ =	shalt  }
0x7f: {  	_ =	shalt  }
0x80: {  	_ =	shalt  }
0x81: {  	_ =	shalt  }
0x82: {  	_ =	shalt  }
0x83: {  	_ =	shalt  }
0x84: {  	_ =	shalt  }
0x85: {  	_ =	shalt  }
0x86: {  	_ =	shalt  }
0x87: {  	_ =	shalt  }
.Lfunc_end0:
.L_simem_size_0:
called_computation_lowered:
.L_overlay_start_0:
0x88: {  	s2 =	sld [smem:$0x3FD9]  }
0x89: {  	s3 =	sld [smem:$0x3FFE];
	_ =	sdelay $0x1  }
0x8a: {  	s1 =	srdreg.scid  }
0x8b: {  	s0 =	sand.u32 $0x1, s1  }
0x8c: {  	s14 =	sshll.u32 s0, $0xA;
	s2 =	sadd.s32 s3, s2  }
0x8d: {  	s2 =	sadd.s32 s2, s14  }
0x8e: {  	[smem:$0x3FC4] =	sst s2  }
0x8f: {  	_ = 	snop  }
0x90: {  	s2 =	sld [smem:$0x3FD0];
	_ =	sdelay $0x2  }
0x91: {  	s4 =	simm.s32 $0xA;
	s5 =	simm.s32 $0x10;
	s15 =	sld [smem:$0x3FC7]  }
0x92: {  	[smem:s5], [sflag:s4] =	dma.local [hbm:s2], $0x1  }
0x93: {  	_ =	swait.eq [sflag:s4], $0x1  }
0x94: {  	[sflag:s4] =	ssyncset.done $0x0  }
0x95: {  	[sflag:s4] =	ssyncadd.s32 $0xFFFFFFFF  }
0x96: {  	s16 =	sld [smem:$0x10];
	(tm) =	ssettm $0x1  }
0x97: {  	s17 =	sld [smem:$0x3FFB];
	_ =	sdelay $0x3  }
0x98: {  	_ =	strace s17  }
0x99: {  	s4 =	sld [smem:$0x3FFC];
	_ =	sdelay $0x3  }
0x9a: {  	_ =	strace s4  }
0x9b: {  	s4 =	sld [smem:$0x3FFD];
	_ =	sdelay $0x3  }
0x9c: {  	_ =	strace s4  }
0x9d: {  	_ =	strace $0x8FFFFFFF  }
0x9e: {  	s18 =	sld [smem:$0x3FDB];
	_ =	sdelay $0x1  }
0x9f: {  	s19 =	simm.s32 $_scs_section_size  }
0xa0: {  	s6 =	simm.s32 $_size__tile_overlayer_lowered;
	s7 =	simm.s32 $_tile_overlayer_lowered  }
0xa1: {  	s22 =	simm.s32 $0x1BFF;
	s21 =	sshll.u32 s7, $0x1;
	s4 =	sadd.s32 s19, s18  }
0xa2: {  	s8 =	simm.s32 $0x0;
	s20 =	sshll.u32 s6, $0x1;
	s6 =	sadd.s32 s21, s4  }
0xa3: {  	[timem:s8], [sflag:s22] =	dma.local [hbm:s6], s20  }
0xa4: {  	_ =	swait.ge [sflag:s22], s20  }
0xa5: {  	s5 =	ssub.s32 $0x0, s20;
	[sflag:s22] =	ssyncset.done $0x0  }
0xa6: {  	[sflag:s22] =	ssyncadd.s32 s5;
	_ =	sdelay $0x1  }
0xa7: {  	s23 =	simm.s32 $0x1B8B  }
0xa8: {  	_ =	swait.ge [sflag:s23], $0x1  }
0xa9: {  	[sflag:s23] =	ssyncset.done $0x0  }
0xaa: {  	s25 =	simm.s32 $0x1B8E;
	s24 =	sld [smem:$0x3FFE];
	[sflag:s23] =	ssyncadd.s32 $0xFFFFFFFF  }
0xab: {  	s26 =	simm.s32 $execute0_lowered;
	[smem:$0x3FD2] =	sst s25  }
0xac: {  	s6 =	sshll.u32 s26, $0x1;
	_ =	strace $0x80000046;
	[dreg:$0x1] =	wrdreg $0xFFFFFFFF  }
0xad: {  	s28 =	simm.s32 $_size_execute0_lowered;
	s4 =	sadd.s32 s4, s6;
	[dreg:$0x0] =	wrdreg $0x0  }
0xae: {  	s6 =	sshll.u32 s28, $0x1;
	[dreg:$0x2] =	wrdreg s4  }
0xaf: {  	[dreg:$0x3] =	wrdreg s6  }
0xb0: {  	[dreg:$0x4] =	wrdreg $0xC0  }
0xb1: {  	_ =	task [dreg:s8], $0x5FFFF  }
0xb2: {  	[dreg:$0x1] =	wrdreg $0xFFFFFFFF  }
0xb3: {  	[dreg:$0x0] =	wrdreg $0x60  }
0xb4: {  	[dreg:$0x2] =	wrdreg s24  }
0xb5: {  	[dreg:$0x3] =	wrdreg s15  }
0xb6: {  	[dreg:$0x4] =	wrdreg s16  }
0xb7: {  	[dreg:$0x5] =	wrdreg $0x9  }
0xb8: {  	_ =	task.clear_ibuf [dreg:s8], $0x6FFFF;
	_ =	strace $0x90000046  }
0xb9: {  	s29 =	simm.s32 $0x9;
	_ =	strace $0x80000048  }
0xba: {  	_ =	swait.ge [sflag:s29], $0x1  }
0xbb: {  	[sflag:s29] =	ssyncadd.s32 $0xFFFFFFFF  }
0xbc: {  	_ =	strace $0x90000048  }
0xbd: {  	_ =	sfence  }
0xbe: {  	s30 =	sld [smem:$0x0];
	_ =	sdelay $0x2  }
0xbf: {  	s31 =	sshll.u32 s1, $0xD;
	s1 =	sshrl.u32 s1, $0x2  }
0xc0: {  	s3 =	sand.u32 $0x4000, s31;
	s1 =	sadd.s32 s1, s30  }
0xc1: {  	s0 =	sor.u32 s3, s0;
	s1 =	sshll.u32 s1, $0x11  }
0xc2: {  	s0 =	sor.u32 s1, s0  }
0xc3: {  	s0 =	sadd.s32 $0x8F2B, s0  }
0xc4: {  	[sflag:s0] =	ssyncadd.remote.s32 $0x1  }
0xc5: {  	_ =	sfence.sel $0xFFFF  }
0xc6: {  	[dreg:$0x0] =	wrdreg $0xFFFFFFFF;
	(pc) =	sbr.abs _section_cstart, $3  }
0xc7: {  	[dreg:$0x1] =	wrdreg $0xFFFFFFFF  }
0xc8: {  	_ =	task.clear_ibuf [dreg:s8], $0x2FFFF;
	_ =	strace $0x9FFFFFFF  }
0xc9: {  	(tm) =	ssettm $0x7FFFFFFF  }
tec
execute0_lowered:
.L_overlay_start_1:
0x0: {  	(tag) =	ssettag $0x1  }
0x1: {  	s4 =	rddreg [dreg:$0x0]  }
0x2: {  	s2 =	rddreg [dreg:$0x1]  }
0x3: {  	s5 =	rddreg [dreg:$0x2];
	s3 =	srdreg.scid  }
0x4: {  	s0 =	rddreg [dreg:$0x3];
	s1 =	stileid.u32  }
0x5: {  	s9 =	simm.s32 $0x1;
	s10 =	simm.s32 $0x10000;
	s11 =	simm.s32 $0x0  }
0x6: {  	s6 =	sand.u32 $0x1, s3;
	s3 =	simm.s32 $0x0;
	s7 =	sshll.u32 s1, $0xA  }
0x7: {  	s8 =	sshll.u32 s6, $0x9;
	[smem:$0x7FF] =	sst s3;
	s6 =	ssub.s32 $0x2, s6  }
0x8: {  	s7 =	sor.u32 s8, s7;
	_ =	strace $0x80000047;
	s31 =	sshrl.u32 s6, $0x1  }
0x9: {  	s8 =	sshll.u32 s7, $0x4;
	s7 =	sshrl.u32 s7, $0x3;
	s6 =	ssub.s32 s6, s31  }
0xa: {  	v0 =	vlaneseq.u32;
	s4 =	sadd.s32 s8, s4;
	s5 =	sadd.s32 s5, s7;
	s6 =	smax.u32 s6, $0x1  }
0xb: {  	v1 =	vimm.s32 $0x0;
	v2 =	vimm.s32 $0x1A;
	v0 =	vmul.u32 $0x80, v0;
	s7 =	simm.s32 $0x10200;
	s8 =	simm.s32 $0x2;
	s4 =	sadd.s32 $0xE00, s4  }
.LBB2_1:
0xc: {  	v3 =	vmov s3  }
0xd: {  	v3 =	vshll.u32 v3, $0x7  }
0xe: {  	v4 =	vor.u32 v0, v3  }
0xf: {  	v3 =	vor.u32 $0x1, v4;
	v5 =	vor.u32 $0x1A, v4;
	v20 =	vor.u32 $0x1D, v4  }
0x10: {  	[tilespmem:s7], [sflag:$0x2] =	stream.linear.gather [hbm4b:s2+s3], $0x80, $0x38;
	v6 =	vor.u32 $0x2, v4;
	v7 =	vor.u32 $0x1B, v4;
	v8 =	vor.u32 $0x1C, v4;
	[tilespmem:$0x10280] =	vst v63  }
0x11: {  	_ =	swait.ge [sflag:s8], $0x80;
	v21 =	vor.u32 $0x3, v4;
	v22 =	vor.u32 $0x4, v4;
	v23 =	vor.u32 $0x1E, v4  }
0x12: {  	[sflag:s8] =	ssyncset.done $0x0;
	v24 =	vor.u32 $0x5, v4;
	v25 =	vor.u32 $0x1F, v4;
	v26 =	vor.u32 $0x20, v4  }
0x13: {  	[sflag:s8] =	ssyncadd.s32 $0xFFFFFF80;
	v27 =	vor.u32 $0x6, v4;
	v28 =	vor.u32 $0x7, v4;
	v29 =	vor.u32 $0x21, v4  }
0x14: {  	v30 =	vor.u32 $0x8, v4;
	v31 =	vor.u32 $0x22, v4;
	v32 =	vor.u32 $0x23, v4;
	[tilespmem:s3], [sflag:$0x1] =	stream.linear.gather [hbm4b:s4+s3], $0x10000, $0x38;
	[tilespmem:$0x10280] =	vst v63  }
0x15: {  	v33 =	vor.u32 $0x9, v4;
	v34 =	vor.u32 $0xA, v4;
	v35 =	vor.u32 $0x24, v4;
	_ =	swait.ge [sflag:s9], $0x10000  }
0x16: {  	v36 =	vor.u32 $0xB, v4;
	v37 =	vor.u32 $0x25, v4;
	v38 =	vor.u32 $0x26, v4;
	[sflag:s9] =	ssyncset.done $0x0  }
0x17: {  	v39 =	vor.u32 $0xC, v4;
	v40 =	vor.u32 $0xD, v4;
	v41 =	vor.u32 $0x27, v4;
	[sflag:s9] =	ssyncadd.s32 $0xFFFF0000  }
0x18: {  	v42 =	vor.u32 $0xE, v4;
	v43 =	vor.u32 $0x28, v4;
	v44 =	vor.u32 $0x29, v4;
	v45 =	vld.idx.msk [tilespmem:v4+s3+$0x0], $0xffff  }
0x19: {  	v46 =	vor.u32 $0xF, v4;
	v47 =	vor.u32 $0x10, v4;
	v48 =	vor.u32 $0x2A, v4;
	v49 =	vld.idx.msk [tilespmem:v7+s3+$0x0], $0xffff  }
0x1a: {  	v50 =	vor.u32 $0x11, v4;
	v18 =	vor.u32 $0x2B, v4;
	v16 =	vor.u32 $0x2C, v4;
	v51 =	vld.idx.msk [tilespmem:v3+s3+$0x0], $0xffff  }
0x1b: {  	v19 =	vor.u32 $0x12, v4;
	v17 =	vor.u32 $0x13, v4;
	v15 =	vor.u32 $0x2D, v4;
	v52 =	vld.idx.msk [tilespmem:v5+s3+$0x0], $0xffff  }
0x1c: {  	v14 =	vor.u32 $0x14, v4;
	v11 =	vor.u32 $0x15, v4;
	v13 =	vor.u32 $0x2E, v4;
	v53 =	vld.idx.msk [tilespmem:v6+s3+$0x0], $0xffff  }
0x1d: {  	v10 =	vor.u32 $0x16, v4;
	v12 =	vor.u32 $0x2F, v4;
	v9 =	vor.u32 $0x30, v4;
	v54 =	vld.idx.msk [tilespmem:v8+s3+$0x0], $0xffff  }
0x1e: {  	v57 =	vor.u32 $0x17, v4;
	v5 =	vor.u32 $0x18, v4;
	v7 =	vor.u32 $0x31, v4;
	v21 =	vld.idx.msk [tilespmem:v21+s3+$0x0], $0xffff  }
0x1f: {  	v3 =	vor.u32 $0x19, v4;
	v6 =	vor.u32 $0x32, v4;
	v20 =	vld.idx.msk [tilespmem:v20+s3+$0x0], $0xffff;
	vm0 =	vgt.f32 v51, v45  }
0x20: {  	v4 =	vor.u32 $0x33, v4;
	v22 =	vld.idx.msk [tilespmem:v22+s3+$0x0], $0xffff;
	vm1 =	vgt.f32 v49, v52;
	v45 =	vsel vm0, v51, v45  }
0x21: {  	v23 =	vld.idx.msk [tilespmem:v23+s3+$0x0], $0xffff;
	v58 =	vsel vm0, $0x1, v1;
	v49 =	vsel vm1, v49, v52;
	vm4 =	vgt.f32 v53, v45  }
0x22: {  	v24 =	vld.idx.msk [tilespmem:v24+s3+$0x0], $0xffff;
	v59 =	vsel vm1, $0x1B, v2;
	vm5 =	vgt.f32 v54, v49;
	v45 =	vsel vm4, v53, v45  }
0x23: {  	v25 =	vld.idx.msk [tilespmem:v25+s3+$0x0], $0xffff;
	v51 =	vsel vm4, $0x2, v58;
	v49 =	vsel vm5, v54, v49;
	vm6 =	vgt.f32 v21, v45  }
0x24: {  	v27 =	vld.idx.msk [tilespmem:v27+s3+$0x0], $0xffff;
	v52 =	vsel vm5, $0x1C, v59;
	vm7 =	vgt.f32 v20, v49;
	v21 =	vsel vm6, v21, v45  }
0x25: {  	v26 =	vld.idx.msk [tilespmem:v26+s3+$0x0], $0xffff;
	v60 =	vsel vm6, $0x3, v51;
	v20 =	vsel vm7, v20, v49;
	vm8 =	vgt.f32 v22, v21  }
0x26: {  	v28 =	vld.idx.msk [tilespmem:v28+s3+$0x0], $0xffff;
	v61 =	vsel vm7, $0x1D, v52;
	vm9 =	vgt.f32 v23, v20;
	v21 =	vsel vm8, v22, v21  }
0x27: {  	v29 =	vld.idx.msk [tilespmem:v29+s3+$0x0], $0xffff;
	v62 =	vsel vm8, $0x4, v60;
	v20 =	vsel vm9, v23, v20;
	vm10 =	vgt.f32 v24, v21  }
0x28: {  	v63 =	vld.idx.msk [tilespmem:v30+s3+$0x0], $0xffff;
	v30 =	vsel vm9, $0x1E, v61;
	vm11 =	vgt.f32 v25, v20;
	v21 =	vsel vm10, v24, v21  }
0x29: {  	v22 =	vsel vm10, $0x5, v62;
	v24 =	vld.idx.msk [tilespmem:v31+s3+$0x0], $0xffff;
	v20 =	vsel vm11, v25, v20;
	vm12 =	vgt.f32 v27, v21  }
0x2a: {  	v25 =	vld.idx.msk [tilespmem:v33+s3+$0x0], $0xffff;
	v30 =	vsel vm11, $0x1F, v30;
	vm13 =	vgt.f32 v26, v20;
	v21 =	vsel vm12, v27, v21  }
0x2b: {  	v22 =	vsel vm12, $0x6, v22;
	v27 =	vld.idx.msk [tilespmem:v32+s3+$0x0], $0xffff;
	v20 =	vsel vm13, v26, v20;
	vm14 =	vgt.f32 v28, v21  }
0x2c: {  	v26 =	vld.idx.msk [tilespmem:v34+s3+$0x0], $0xffff;
	v30 =	vsel vm13, $0x20, v30;
	vm15 =	vgt.f32 v29, v20;
	v21 =	vsel vm14, v28, v21  }
0x2d: {  	v22 =	vsel vm14, $0x7, v22;
	v28 =	vld.idx.msk [tilespmem:v35+s3+$0x0], $0xffff;
	v20 =	vsel vm15, v29, v20;
	vm4 =	vgt.f32 v63, v21  }
0x2e: {  	v29 =	vld.idx.msk [tilespmem:v36+s3+$0x0], $0xffff;
	v30 =	vsel vm15, $0x21, v30;
	vm5 =	vgt.f32 v24, v20;
	v21 =	vsel vm4, v63, v21  }
0x2f: {  	v45 =	vld.idx.msk [tilespmem:v37+s3+$0x0], $0xffff;
	v22 =	vsel vm4, $0x8, v22;
	v20 =	vsel vm5, v24, v20;
	vm6 =	vgt.f32 v25, v21  }
0x30: {  	v24 =	vld.idx.msk [tilespmem:v39+s3+$0x0], $0xffff;
	v30 =	vsel vm5, $0x22, v30;
	vm7 =	vgt.f32 v27, v20;
	v21 =	vsel vm6, v25, v21  }
0x31: {  	v22 =	vsel vm6, $0x9, v22;
	v25 =	vld.idx.msk [tilespmem:v38+s3+$0x0], $0xffff;
	v20 =	vsel vm7, v27, v20;
	vm8 =	vgt.f32 v26, v21  }
0x32: {  	v27 =	vld.idx.msk [tilespmem:v40+s3+$0x0], $0xffff;
	v30 =	vsel vm7, $0x23, v30;
	vm9 =	vgt.f32 v28, v20;
	v21 =	vsel vm8, v26, v21  }
0x33: {  	v22 =	vsel vm8, $0xA, v22;
	v26 =	vld.idx.msk [tilespmem:v41+s3+$0x0], $0xffff;
	v20 =	vsel vm9, v28, v20;
	vm10 =	vgt.f32 v29, v21  }
0x34: {  	v28 =	vld.idx.msk [tilespmem:v42+s3+$0x0], $0xffff;
	v30 =	vsel vm9, $0x24, v30;
	vm11 =	vgt.f32 v45, v20;
	v21 =	vsel vm10, v29, v21  }
0x35: {  	v22 =	vsel vm10, $0xB, v22;
	v29 =	vld.idx.msk [tilespmem:v43+s3+$0x0], $0xffff;
	v20 =	vsel vm11, v45, v20;
	vm12 =	vgt.f32 v24, v21  }
0x36: {  	v49 =	vld.idx.msk [tilespmem:v46+s3+$0x0], $0xffff;
	v30 =	vsel vm11, $0x25, v30;
	vm13 =	vgt.f32 v25, v20;
	v21 =	vsel vm12, v24, v21  }
0x37: {  	v22 =	vsel vm12, $0xC, v22;
	v24 =	vld.idx.msk [tilespmem:v44+s3+$0x0], $0xffff;
	v20 =	vsel vm13, v25, v20;
	vm14 =	vgt.f32 v27, v21  }
0x38: {  	v25 =	vld.idx.msk [tilespmem:v47+s3+$0x0], $0xffff;
	v30 =	vsel vm13, $0x26, v30;
	vm15 =	vgt.f32 v26, v20;
	v21 =	vsel vm14, v27, v21  }
0x39: {  	v22 =	vsel vm14, $0xD, v22;
	v27 =	vld.idx.msk [tilespmem:v48+s3+$0x0], $0xffff;
	v20 =	vsel vm15, v26, v20;
	vm4 =	vgt.f32 v28, v21  }
0x3a: {  	v26 =	vld.idx.msk [tilespmem:v50+s3+$0x0], $0xffff;
	v30 =	vsel vm15, $0x27, v30;
	vm5 =	vgt.f32 v29, v20;
	v21 =	vsel vm4, v28, v21  }
0x3b: {  	v18 =	vld.idx.msk [tilespmem:v18+s3+$0x0], $0xffff;
	v22 =	vsel vm4, $0xE, v22;
	v20 =	vsel vm5, v29, v20;
	vm6 =	vgt.f32 v49, v21  }
0x3c: {  	v19 =	vld.idx.msk [tilespmem:v19+s3+$0x0], $0xffff;
	v28 =	vsel vm5, $0x28, v30;
	vm7 =	vgt.f32 v24, v20;
	v21 =	vsel vm6, v49, v21  }
0x3d: {  	v16 =	vld.idx.msk [tilespmem:v16+s3+$0x0], $0xffff;
	v22 =	vsel vm6, $0xF, v22;
	v20 =	vsel vm7, v24, v20;
	vm8 =	vgt.f32 v25, v21  }
0x3e: {  	v17 =	vld.idx.msk [tilespmem:v17+s3+$0x0], $0xffff;
	v50 =	vsel vm7, $0x29, v28;
	vm9 =	vgt.f32 v27, v20;
	v21 =	vsel vm8, v25, v21  }
0x3f: {  	v15 =	vld.idx.msk [tilespmem:v15+s3+$0x0], $0xffff;
	v22 =	vsel vm8, $0x10, v22;
	v20 =	vsel vm9, v27, v20;
	vm10 =	vgt.f32 v26, v21  }
0x40: {  	v14 =	vld.idx.msk [tilespmem:v14+s3+$0x0], $0xffff;
	v23 =	vsel vm9, $0x2A, v50;
	vm11 =	vgt.f32 v18, v20;
	v21 =	vsel vm10, v26, v21  }
0x41: {  	v13 =	vld.idx.msk [tilespmem:v13+s3+$0x0], $0xffff;
	v18 =	vsel vm11, v18, v20;
	v51 =	vsel vm11, $0x2B, v23;
	vm2 =	vgt.f32 v19, v21  }
0x42: {  	v11 =	vld.idx.msk [tilespmem:v11+s3+$0x0], $0xffff;
	v22 =	vsel vm10, $0x11, v22;
	vm12 =	vgt.f32 v16, v18;
	v19 =	vsel vm2, v19, v21  }
0x43: {  	v12 =	vld.idx.msk [tilespmem:v12+s3+$0x0], $0xffff;
	v52 =	vsel vm2, $0x12, v22;
	v16 =	vsel vm12, v16, v18;
	vm13 =	vgt.f32 v17, v19  }
0x44: {  	v10 =	vld.idx.msk [tilespmem:v10+s3+$0x0], $0xffff;
	v54 =	vsel vm12, $0x2C, v51;
	vm14 =	vgt.f32 v15, v16;
	v17 =	vsel vm13, v17, v19  }
0x45: {  	v9 =	vld.idx.msk [tilespmem:v9+s3+$0x0], $0xffff;
	v53 =	vsel vm13, $0x13, v52;
	v15 =	vsel vm14, v15, v16;
	vm15 =	vgt.f32 v14, v17  }
0x46: {  	v8 =	vld.idx.msk [tilespmem:v57+s3+$0x0], $0xffff;
	v56 =	vsel vm14, $0x2D, v54;
	vm4 =	vgt.f32 v13, v15;
	v14 =	vsel vm15, v14, v17  }
0x47: {  	v7 =	vld.idx.msk [tilespmem:v7+s3+$0x0], $0xffff;
	v55 =	vsel vm15, $0x14, v53;
	v13 =	vsel vm4, v13, v15;
	vm5 =	vgt.f32 v11, v14  }
0x48: {  	v5 =	vld.idx.msk [tilespmem:v5+s3+$0x0], $0xffff;
	v57 =	vsel vm4, $0x2E, v56;
	vm6 =	vgt.f32 v12, v13;
	v11 =	vsel vm5, v11, v14  }
0x49: {  	v6 =	vld.idx.msk [tilespmem:v6+s3+$0x0], $0xffff;
	v58 =	vsel vm5, $0x15, v55;
	v12 =	vsel vm6, v12, v13;
	vm7 =	vgt.f32 v10, v11  }
0x4a: {  	v3 =	vld.idx.msk [tilespmem:v3+s3+$0x0], $0xffff;
	v59 =	vsel vm6, $0x2F, v57;
	vm8 =	vgt.f32 v9, v12;
	v10 =	vsel vm7, v10, v11  }
0x4b: {  	v4 =	vld.idx.msk [tilespmem:v4+s3+$0x0], $0xffff;
	v9 =	vsel vm8, v9, v12;
	v11 =	vsel vm8, $0x30, v59;
	vm9 =	vgt.f32 v8, v10  }
0x4c: {  	v60 =	vsel vm7, $0x16, v58;
	vm10 =	vgt.f32 v7, v9;
	v8 =	vsel vm9, v8, v10  }
0x4d: {  	v7 =	vsel vm10, v7, v9;
	v61 =	vsel vm10, $0x31, v11;
	vm11 =	vgt.f32 v5, v8  }
0x4e: {  	v62 =	vsel vm9, $0x17, v60;
	vm12 =	vgt.f32 v6, v7;
	v5 =	vsel vm11, v5, v8  }
0x4f: {  	v63 =	vsel vm11, $0x18, v62;
	v6 =	vsel vm12, v6, v7;
	vm13 =	vgt.f32 v3, v5  }
0x50: {  	s12 =	simm.s32 $0x10;
	vm14 =	vgt.f32 v4, v6;
	v3 =	vsel vm13, v3, v5;
	v5 =	vsel vm12, $0x32, v61  }
0x51: {  	v7 =	vsel vm13, $0x19, v63;
	v4 =	vsel vm14, v4, v6;
	v6 =	vmov s12  }
0x52: {  	v5 =	vsel vm14, $0x33, v5;
	vm15 =	vgt.f32 v4, v3;
	v3 =	vshll.u32 v6, $0x7  }
0x53: {  	v5 =	vsel vm15, v5, v7;
	v24 =	vor.u32 v0, v3  }
0x54: {  	s14 =	simm.s32 $0x20;
	s13 =	simm.s32 $0x10000;
	s12 =	simm.s32 $0x10000;
	v4 =	vor.u32 $0x1, v24;
	v3 =	vor.u32 $0x1A, v24;
	v28 =	vor.u32 $0x1D, v24  }
.LBB2_2:
0x55: {  	p0 =	sne.s32 s14, $0x1F0  }
0x56: {  	v6 =	vor.u32 $0x2, v24;
	v7 =	vor.u32 $0x1B, v24;
	v32 =	vor.u32 $0x1C, v24;
	s12 =	sadd.s32 $0x10, s12;
	s15 =	smov.u32 s14;
	s14 =	sadd.s32 $0x10, s14  }
0x57: {  	v33 =	vor.u32 $0x3, v24;
	v34 =	vor.u32 $0x4, v24;
	v35 =	vor.u32 $0x1E, v24  }
0x58: {  	v36 =	vor.u32 $0x5, v24;
	v37 =	vor.u32 $0x1F, v24;
	v38 =	vor.u32 $0x20, v24;
	v5 =	vld.idx.msk [tilespmem:v5+s7+$0x0], $0xffff  }
0x59: {  	v39 =	vor.u32 $0x6, v24;
	v40 =	vor.u32 $0x7, v24;
	v41 =	vor.u32 $0x21, v24  }
0x5a: {  	v42 =	vor.u32 $0x8, v24;
	v43 =	vor.u32 $0x22, v24;
	v44 =	vor.u32 $0x23, v24  }
0x5b: {  	v45 =	vor.u32 $0x9, v24;
	v46 =	vor.u32 $0xA, v24;
	v47 =	vor.u32 $0x24, v24  }
0x5c: {  	v48 =	vor.u32 $0xB, v24;
	v49 =	vor.u32 $0x25, v24;
	v31 =	vor.u32 $0x26, v24  }
0x5d: {  	v50 =	vor.u32 $0xC, v24;
	v30 =	vor.u32 $0xD, v24;
	v29 =	vor.u32 $0x27, v24  }
0x5e: {  	v27 =	vor.u32 $0xE, v24;
	v25 =	vor.u32 $0x28, v24;
	v22 =	vor.u32 $0x29, v24;
	[tilespmem:s13+$0x0] =	vst v5;
	s13 =	smov.u32 s12  }
0x5f: {  	v26 =	vor.u32 $0xF, v24;
	v23 =	vor.u32 $0x10, v24;
	v21 =	vor.u32 $0x2A, v24;
	v51 =	vld.idx.msk [tilespmem:v24+s3+$0x0], $0xffff  }
0x60: {  	v20 =	vor.u32 $0x11, v24;
	v18 =	vor.u32 $0x2B, v24;
	v16 =	vor.u32 $0x2C, v24;
	v52 =	vld.idx.msk [tilespmem:v7+s3+$0x0], $0xffff  }
0x61: {  	v19 =	vor.u32 $0x12, v24;
	v17 =	vor.u32 $0x13, v24;
	v15 =	vor.u32 $0x2D, v24;
	v53 =	vld.idx.msk [tilespmem:v4+s3+$0x0], $0xffff  }
0x62: {  	v14 =	vor.u32 $0x14, v24;
	v12 =	vor.u32 $0x15, v24;
	v13 =	vor.u32 $0x2E, v24;
	v54 =	vld.idx.msk [tilespmem:v3+s3+$0x0], $0xffff  }
0x63: {  	v10 =	vor.u32 $0x16, v24;
	v11 =	vor.u32 $0x2F, v24;
	v9 =	vor.u32 $0x30, v24;
	v55 =	vld.idx.msk [tilespmem:v6+s3+$0x0], $0xffff  }
0x64: {  	v8 =	vor.u32 $0x17, v24;
	v7 =	vor.u32 $0x31, v24;
	v6 =	vor.u32 $0x18, v24;
	v32 =	vld.idx.msk [tilespmem:v32+s3+$0x0], $0xffff  }
0x65: {  	v5 =	vor.u32 $0x32, v24;
	v4 =	vor.u32 $0x19, v24;
	v3 =	vor.u32 $0x33, v24;
	v33 =	vld.idx.msk [tilespmem:v33+s3+$0x0], $0xffff  }
0x66: {  	v24 =	vld.idx.msk [tilespmem:v28+s3+$0x0], $0xffff  }
0x67: {  	vm0 =	vgt.f32 v53, v51;
	v28 =	vld.idx.msk [tilespmem:v34+s3+$0x0], $0xffff  }
0x68: {  	v34 =	vsel vm0, v53, v51;
	v51 =	vsel vm0, $0x1, v1;
	vm0 =	vgt.f32 v52, v54;
	v35 =	vld.idx.msk [tilespmem:v35+s3+$0x0], $0xffff  }
0x69: {  	vm1 =	vgt.f32 v55, v34;
	v52 =	vsel vm0, v52, v54;
	v53 =	vsel vm0, $0x1B, v2;
	v36 =	vld.idx.msk [tilespmem:v36+s3+$0x0], $0xffff  }
0x6a: {  	v34 =	vsel vm1, v55, v34;
	v51 =	vsel vm1, $0x2, v51;
	vm0 =	vgt.f32 v32, v52;
	v37 =	vld.idx.msk [tilespmem:v37+s3+$0x0], $0xffff  }
0x6b: {  	vm1 =	vgt.f32 v33, v34;
	v32 =	vsel vm0, v32, v52;
	v52 =	vsel vm0, $0x1C, v53;
	v39 =	vld.idx.msk [tilespmem:v39+s3+$0x0], $0xffff  }
0x6c: {  	v33 =	vsel vm1, v33, v34;
	v34 =	vsel vm1, $0x3, v51;
	vm0 =	vgt.f32 v24, v32;
	v38 =	vld.idx.msk [tilespmem:v38+s3+$0x0], $0xffff  }
0x6d: {  	vm1 =	vgt.f32 v28, v33;
	v24 =	vsel vm0, v24, v32;
	v32 =	vsel vm0, $0x1D, v52;
	v40 =	vld.idx.msk [tilespmem:v40+s3+$0x0], $0xffff  }
0x6e: {  	v28 =	vsel vm1, v28, v33;
	v33 =	vsel vm1, $0x4, v34;
	vm0 =	vgt.f32 v35, v24;
	v34 =	vld.idx.msk [tilespmem:v41+s3+$0x0], $0xffff  }
0x6f: {  	vm1 =	vgt.f32 v36, v28;
	v24 =	vsel vm0, v35, v24;
	v32 =	vsel vm0, $0x1E, v32;
	v41 =	vld.idx.msk [tilespmem:v42+s3+$0x0], $0xffff  }
0x70: {  	v28 =	vsel vm1, v36, v28;
	v33 =	vsel vm1, $0x5, v33;
	vm0 =	vgt.f32 v37, v24;
	v35 =	vld.idx.msk [tilespmem:v43+s3+$0x0], $0xffff  }
0x71: {  	vm1 =	vgt.f32 v39, v28;
	v24 =	vsel vm0, v37, v24;
	v32 =	vsel vm0, $0x1F, v32;
	v36 =	vld.idx.msk [tilespmem:v45+s3+$0x0], $0xffff  }
0x72: {  	v28 =	vsel vm1, v39, v28;
	v33 =	vsel vm1, $0x6, v33;
	vm0 =	vgt.f32 v38, v24;
	v37 =	vld.idx.msk [tilespmem:v44+s3+$0x0], $0xffff  }
0x73: {  	vm1 =	vgt.f32 v40, v28;
	v24 =	vsel vm0, v38, v24;
	v32 =	vsel vm0, $0x20, v32;
	v39 =	vld.idx.msk [tilespmem:v46+s3+$0x0], $0xffff  }
0x74: {  	v28 =	vsel vm1, v40, v28;
	v33 =	vsel vm1, $0x7, v33;
	vm0 =	vgt.f32 v34, v24;
	v38 =	vld.idx.msk [tilespmem:v47+s3+$0x0], $0xffff  }
0x75: {  	vm1 =	vgt.f32 v41, v28;
	v24 =	vsel vm0, v34, v24;
	v32 =	vsel vm0, $0x21, v32;
	v40 =	vld.idx.msk [tilespmem:v48+s3+$0x0], $0xffff  }
0x76: {  	v28 =	vsel vm1, v41, v28;
	v33 =	vsel vm1, $0x8, v33;
	vm0 =	vgt.f32 v35, v24;
	v34 =	vld.idx.msk [tilespmem:v49+s3+$0x0], $0xffff  }
0x77: {  	vm1 =	vgt.f32 v36, v28;
	v24 =	vsel vm0, v35, v24;
	v32 =	vsel vm0, $0x22, v32;
	v41 =	vld.idx.msk [tilespmem:v50+s3+$0x0], $0xffff  }
0x78: {  	v28 =	vsel vm1, v36, v28;
	v33 =	vsel vm1, $0x9, v33;
	vm0 =	vgt.f32 v37, v24;
	v31 =	vld.idx.msk [tilespmem:v31+s3+$0x0], $0xffff  }
0x79: {  	vm1 =	vgt.f32 v39, v28;
	v24 =	vsel vm0, v37, v24;
	v32 =	vsel vm0, $0x23, v32;
	v30 =	vld.idx.msk [tilespmem:v30+s3+$0x0], $0xffff  }
0x7a: {  	v28 =	vsel vm1, v39, v28;
	v33 =	vsel vm1, $0xA, v33;
	vm0 =	vgt.f32 v38, v24;
	v29 =	vld.idx.msk [tilespmem:v29+s3+$0x0], $0xffff  }
0x7b: {  	vm1 =	vgt.f32 v40, v28;
	v24 =	vsel vm0, v38, v24;
	v32 =	vsel vm0, $0x24, v32;
	v27 =	vld.idx.msk [tilespmem:v27+s3+$0x0], $0xffff  }
0x7c: {  	v28 =	vsel vm1, v40, v28;
	v33 =	vsel vm1, $0xB, v33;
	vm0 =	vgt.f32 v34, v24;
	v25 =	vld.idx.msk [tilespmem:v25+s3+$0x0], $0xffff  }
0x7d: {  	vm1 =	vgt.f32 v41, v28;
	v24 =	vsel vm0, v34, v24;
	v32 =	vsel vm0, $0x25, v32;
	v26 =	vld.idx.msk [tilespmem:v26+s3+$0x0], $0xffff  }
0x7e: {  	v28 =	vsel vm1, v41, v28;
	v33 =	vsel vm1, $0xC, v33;
	vm0 =	vgt.f32 v31, v24;
	v22 =	vld.idx.msk [tilespmem:v22+s3+$0x0], $0xffff  }
0x7f: {  	vm1 =	vgt.f32 v30, v28;
	v24 =	vsel vm0, v31, v24;
	v31 =	vsel vm0, $0x26, v32;
	v23 =	vld.idx.msk [tilespmem:v23+s3+$0x0], $0xffff  }
0x80: {  	v28 =	vsel vm1, v30, v28;
	v30 =	vsel vm1, $0xD, v33;
	vm0 =	vgt.f32 v29, v24;
	v21 =	vld.idx.msk [tilespmem:v21+s3+$0x0], $0xffff  }
0x81: {  	vm1 =	vgt.f32 v27, v28;
	v24 =	vsel vm0, v29, v24;
	v29 =	vsel vm0, $0x27, v31;
	v20 =	vld.idx.msk [tilespmem:v20+s3+$0x0], $0xffff  }
0x82: {  	v27 =	vsel vm1, v27, v28;
	v28 =	vsel vm1, $0xE, v30;
	vm0 =	vgt.f32 v25, v24;
	v18 =	vld.idx.msk [tilespmem:v18+s3+$0x0], $0xffff  }
0x83: {  	vm1 =	vgt.f32 v26, v27;
	v24 =	vsel vm0, v25, v24;
	v25 =	vsel vm0, $0x28, v29;
	v19 =	vld.idx.msk [tilespmem:v19+s3+$0x0], $0xffff  }
0x84: {  	v26 =	vsel vm1, v26, v27;
	v27 =	vsel vm1, $0xF, v28;
	vm0 =	vgt.f32 v22, v24;
	v16 =	vld.idx.msk [tilespmem:v16+s3+$0x0], $0xffff  }
0x85: {  	vm1 =	vgt.f32 v23, v26;
	v22 =	vsel vm0, v22, v24;
	v24 =	vsel vm0, $0x29, v25;
	v17 =	vld.idx.msk [tilespmem:v17+s3+$0x0], $0xffff  }
0x86: {  	v23 =	vsel vm1, v23, v26;
	vm0 =	vgt.f32 v21, v22;
	v15 =	vld.idx.msk [tilespmem:v15+s3+$0x0], $0xffff  }
0x87: {  	v25 =	vsel vm1, $0x10, v27;
	vm1 =	vgt.f32 v20, v23;
	v21 =	vsel vm0, v21, v22;
	v14 =	vld.idx.msk [tilespmem:v14+s3+$0x0], $0xffff  }
0x88: {  	v22 =	vsel vm0, $0x2A, v24;
	v20 =	vsel vm1, v20, v23;
	vm0 =	vgt.f32 v18, v21;
	v13 =	vld.idx.msk [tilespmem:v13+s3+$0x0], $0xffff  }
0x89: {  	vm2 =	vgt.f32 v19, v20;
	v18 =	vsel vm0, v18, v21;
	v21 =	vsel vm0, $0x2B, v22;
	v12 =	vld.idx.msk [tilespmem:v12+s3+$0x0], $0xffff  }
0x8a: {  	v22 =	vsel vm1, $0x11, v25;
	v19 =	vsel vm2, v19, v20;
	vm0 =	vgt.f32 v16, v18;
	v11 =	vld.idx.msk [tilespmem:v11+s3+$0x0], $0xffff  }
0x8b: {  	v20 =	vsel vm2, $0x12, v22;
	vm1 =	vgt.f32 v17, v19;
	v16 =	vsel vm0, v16, v18;
	v10 =	vld.idx.msk [tilespmem:v10+s3+$0x0], $0xffff  }
0x8c: {  	v17 =	vsel vm1, v17, v19;
	v18 =	vsel vm1, $0x13, v20;
	vm1 =	vgt.f32 v15, v16;
	v9 =	vld.idx.msk [tilespmem:v9+s3+$0x0], $0xffff  }
0x8d: {  	v19 =	vsel vm0, $0x2C, v21;
	vm2 =	vgt.f32 v14, v17;
	v15 =	vsel vm1, v15, v16;
	v8 =	vld.idx.msk [tilespmem:v8+s3+$0x0], $0xffff  }
0x8e: {  	v14 =	vsel vm2, v14, v17;
	v16 =	vsel vm2, $0x14, v18;
	vm0 =	vgt.f32 v13, v15;
	v7 =	vld.idx.msk [tilespmem:v7+s3+$0x0], $0xffff  }
0x8f: {  	v17 =	vsel vm1, $0x2D, v19;
	vm2 =	vgt.f32 v12, v14;
	v13 =	vsel vm0, v13, v15;
	v6 =	vld.idx.msk [tilespmem:v6+s3+$0x0], $0xffff  }
0x90: {  	v12 =	vsel vm2, v12, v14;
	v14 =	vsel vm0, $0x2E, v17;
	vm0 =	vgt.f32 v11, v13;
	v5 =	vld.idx.msk [tilespmem:v5+s3+$0x0], $0xffff  }
0x91: {  	v15 =	vsel vm2, $0x15, v16;
	vm1 =	vgt.f32 v10, v12;
	v11 =	vsel vm0, v11, v13;
	v4 =	vld.idx.msk [tilespmem:v4+s3+$0x0], $0xffff  }
0x92: {  	v10 =	vsel vm1, v10, v12;
	v12 =	vsel vm0, $0x2F, v14;
	vm0 =	vgt.f32 v9, v11;
	v3 =	vld.idx.msk [tilespmem:v3+s3+$0x0], $0xffff  }
0x93: {  	vm2 =	vgt.f32 v8, v10;
	v9 =	vsel vm0, v9, v11;
	v11 =	vsel vm0, $0x30, v12  }
0x94: {  	v12 =	vsel vm1, $0x16, v15;
	v8 =	vsel vm2, v8, v10;
	vm0 =	vgt.f32 v7, v9  }
0x95: {  	vm1 =	vgt.f32 v6, v8;
	v7 =	vsel vm0, v7, v9;
	v9 =	vsel vm0, $0x31, v11  }
0x96: {  	v10 =	vsel vm2, $0x17, v12;
	v6 =	vsel vm1, v6, v8;
	vm0 =	vgt.f32 v5, v7  }
0x97: {  	v8 =	vsel vm1, $0x18, v10;
	vm1 =	vgt.f32 v4, v6;
	v5 =	vsel vm0, v5, v7  }
0x98: {  	v4 =	vsel vm1, v4, v6;
	v6 =	vsel vm0, $0x32, v9;
	vm0 =	vgt.f32 v3, v5  }
.Ltmp0:
0x99: {  	v7 =	vsel vm1, $0x19, v8;
	v3 =	vsel vm0, v3, v5;
	v5 =	vsel vm0, $0x33, v6;
	(pc) =	sbr.rel @p0 .LBB2_2-.Ltmp0, $4  }
0x9a: {  	v6 =	vmov s15;
	vm0 =	vgt.f32 v3, v4  }
0x9b: {  	v3 =	vshll.u32 v6, $0x7;
	v5 =	vsel vm0, v5, v7  }
0x9c: {  	v24 =	vor.u32 v0, v3  }
0x9d: {  	v4 =	vor.u32 $0x1, v24;
	v3 =	vor.u32 $0x1A, v24;
	v28 =	vor.u32 $0x1D, v24  }
0x9e: {  	_ =	sdelay $0x1  }
0x9f: {  	v6 =	vor.u32 $0x2, v24  }
0xa0: {  	v7 =	vor.u32 $0x1B, v24;
	v8 =	vor.u32 $0x1C, v24;
	v20 =	vor.u32 $0x3, v24  }
0xa1: {  	v21 =	vor.u32 $0x4, v24;
	v22 =	vor.u32 $0x1E, v24;
	v23 =	vor.u32 $0x5, v24;
	v5 =	vld.idx.msk [tilespmem:v5+s7+$0x0], $0xffff  }
0xa2: {  	v25 =	vor.u32 $0x1F, v24;
	v26 =	vor.u32 $0x20, v24;
	v27 =	vor.u32 $0x6, v24  }
0xa3: {  	v29 =	vor.u32 $0x7, v24;
	v30 =	vor.u32 $0x21, v24;
	v31 =	vor.u32 $0x8, v24  }
0xa4: {  	v32 =	vor.u32 $0x22, v24;
	v33 =	vor.u32 $0x23, v24;
	v34 =	vor.u32 $0x9, v24  }
0xa5: {  	v35 =	vor.u32 $0xA, v24;
	v36 =	vor.u32 $0x24, v24;
	v37 =	vor.u32 $0xB, v24  }
0xa6: {  	v38 =	vor.u32 $0x25, v24;
	v39 =	vor.u32 $0x26, v24;
	v40 =	vor.u32 $0xC, v24;
	[tilespmem:s13+$0x0] =	vst v5  }
0xa7: {  	v41 =	vor.u32 $0xD, v24;
	v42 =	vor.u32 $0x27, v24;
	v43 =	vor.u32 $0xE, v24;
	v44 =	vld.idx.msk [tilespmem:v24+s3+$0x0], $0xffff  }
0xa8: {  	v45 =	vor.u32 $0x28, v24;
	v46 =	vor.u32 $0x29, v24;
	v47 =	vor.u32 $0xF, v24;
	v48 =	vld.idx.msk [tilespmem:v7+s3+$0x0], $0xffff  }
0xa9: {  	v49 =	vor.u32 $0x10, v24;
	v50 =	vor.u32 $0x2A, v24;
	v51 =	vor.u32 $0x11, v24;
	v52 =	vld.idx.msk [tilespmem:v4+s3+$0x0], $0xffff  }
0xaa: {  	v19 =	vor.u32 $0x2B, v24;
	v17 =	vor.u32 $0x2C, v24;
	v18 =	vor.u32 $0x12, v24;
	v53 =	vld.idx.msk [tilespmem:v3+s3+$0x0], $0xffff  }
0xab: {  	v16 =	vor.u32 $0x13, v24;
	v15 =	vor.u32 $0x2D, v24;
	v14 =	vor.u32 $0x14, v24;
	v54 =	vld.idx.msk [tilespmem:v6+s3+$0x0], $0xffff  }
0xac: {  	v12 =	vor.u32 $0x15, v24;
	v13 =	vor.u32 $0x2E, v24;
	v10 =	vor.u32 $0x16, v24;
	v55 =	vld.idx.msk [tilespmem:v8+s3+$0x0], $0xffff  }
0xad: {  	v11 =	vor.u32 $0x2F, v24;
	v9 =	vor.u32 $0x30, v24;
	v5 =	vor.u32 $0x32, v24;
	v20 =	vld.idx.msk [tilespmem:v20+s3+$0x0], $0xffff  }
0xae: {  	v8 =	vor.u32 $0x17, v24;
	v6 =	vor.u32 $0x18, v24;
	v7 =	vor.u32 $0x31, v24;
	v28 =	vld.idx.msk [tilespmem:v28+s3+$0x0], $0xffff  }
0xaf: {  	v3 =	vor.u32 $0x19, v24;
	v21 =	vld.idx.msk [tilespmem:v21+s3+$0x0], $0xffff;
	vm0 =	vgt.f32 v52, v44;
	vm1 =	vgt.f32 v48, v53  }
0xb0: {  	v4 =	vor.u32 $0x33, v24;
	v22 =	vld.idx.msk [tilespmem:v22+s3+$0x0], $0xffff;
	v57 =	vsel vm0, v52, v44;
	v58 =	vsel vm1, v48, v53  }
0xb1: {  	v23 =	vld.idx.msk [tilespmem:v23+s3+$0x0], $0xffff;
	v59 =	vsel vm0, $0x1, v1;
	vm4 =	vgt.f32 v54, v57;
	vm2 =	vgt.f32 v55, v58  }
0xb2: {  	v25 =	vld.idx.msk [tilespmem:v25+s3+$0x0], $0xffff;
	v60 =	vsel vm1, $0x1B, v2;
	v24 =	vsel vm4, v54, v57;
	v44 =	vsel vm2, v55, v58  }
0xb3: {  	v27 =	vld.idx.msk [tilespmem:v27+s3+$0x0], $0xffff;
	v48 =	vsel vm4, $0x2, v59;
	vm5 =	vgt.f32 v20, v24;
	vm6 =	vgt.f32 v28, v44  }
0xb4: {  	v61 =	vld.idx.msk [tilespmem:v26+s3+$0x0], $0xffff;
	v52 =	vsel vm2, $0x1C, v60;
	v20 =	vsel vm5, v20, v24;
	v62 =	vsel vm6, v28, v44  }
0xb5: {  	v29 =	vld.idx.msk [tilespmem:v29+s3+$0x0], $0xffff;
	v63 =	vsel vm5, $0x3, v48;
	vm7 =	vgt.f32 v21, v20;
	vm8 =	vgt.f32 v22, v62  }
0xb6: {  	v48 =	vsel vm6, $0x1D, v52;
	v52 =	vld.idx.msk [tilespmem:v30+s3+$0x0], $0xffff;
	v20 =	vsel vm7, v21, v20;
	v22 =	vsel vm8, v22, v62  }
0xb7: {  	v56 =	vld.idx.msk [tilespmem:v32+s3+$0x0], $0xffff;
	v53 =	vsel vm7, $0x4, v63;
	vm9 =	vgt.f32 v23, v20;
	vm10 =	vgt.f32 v25, v22  }
0xb8: {  	v54 =	vld.idx.msk [tilespmem:v31+s3+$0x0], $0xffff;
	v55 =	vsel vm8, $0x1E, v48;
	v20 =	vsel vm9, v23, v20;
	v22 =	vsel vm10, v25, v22  }
0xb9: {  	v58 =	vld.idx.msk [tilespmem:v34+s3+$0x0], $0xffff;
	v57 =	vsel vm9, $0x5, v53;
	vm11 =	vgt.f32 v27, v20;
	vm12 =	vgt.f32 v61, v22  }
0xba: {  	v59 =	vld.idx.msk [tilespmem:v33+s3+$0x0], $0xffff;
	v30 =	vsel vm10, $0x1F, v55;
	v20 =	vsel vm11, v27, v20;
	v22 =	vsel vm12, v61, v22  }
0xbb: {  	v62 =	vld.idx.msk [tilespmem:v36+s3+$0x0], $0xffff;
	v60 =	vsel vm11, $0x6, v57;
	vm13 =	vgt.f32 v29, v20;
	vm14 =	vgt.f32 v52, v22  }
0xbc: {  	v61 =	vld.idx.msk [tilespmem:v35+s3+$0x0], $0xffff;
	v30 =	vsel vm12, $0x20, v30;
	v20 =	vsel vm13, v29, v20;
	v21 =	vsel vm14, v52, v22  }
0xbd: {  	v33 =	vld.idx.msk [tilespmem:v37+s3+$0x0], $0xffff;
	v63 =	vsel vm13, $0x7, v60;
	vm15 =	vgt.f32 v54, v20;
	vm4 =	vgt.f32 v56, v21  }
0xbe: {  	v34 =	vld.idx.msk [tilespmem:v38+s3+$0x0], $0xffff;
	v30 =	vsel vm14, $0x21, v30;
	v20 =	vsel vm15, v54, v20;
	v21 =	vsel vm4, v56, v21  }
0xbf: {  	v36 =	vld.idx.msk [tilespmem:v39+s3+$0x0], $0xffff;
	v22 =	vsel vm15, $0x8, v63;
	vm5 =	vgt.f32 v58, v20;
	vm6 =	vgt.f32 v59, v21  }
0xc0: {  	v35 =	vld.idx.msk [tilespmem:v40+s3+$0x0], $0xffff;
	v30 =	vsel vm4, $0x22, v30;
	v20 =	vsel vm5, v58, v20;
	v21 =	vsel vm6, v59, v21  }
0xc1: {  	v37 =	vld.idx.msk [tilespmem:v41+s3+$0x0], $0xffff;
	v22 =	vsel vm5, $0x9, v22;
	vm7 =	vgt.f32 v61, v20;
	vm8 =	vgt.f32 v62, v21  }
0xc2: {  	v38 =	vld.idx.msk [tilespmem:v42+s3+$0x0], $0xffff;
	v30 =	vsel vm6, $0x23, v30;
	v20 =	vsel vm7, v61, v20;
	v21 =	vsel vm8, v62, v21  }
0xc3: {  	v39 =	vld.idx.msk [tilespmem:v43+s3+$0x0], $0xffff;
	v22 =	vsel vm7, $0xA, v22;
	vm9 =	vgt.f32 v33, v20;
	vm10 =	vgt.f32 v34, v21  }
0xc4: {  	v40 =	vld.idx.msk [tilespmem:v45+s3+$0x0], $0xffff;
	v30 =	vsel vm8, $0x24, v30;
	v20 =	vsel vm9, v33, v20;
	v21 =	vsel vm10, v34, v21  }
0xc5: {  	v41 =	vld.idx.msk [tilespmem:v47+s3+$0x0], $0xffff;
	v22 =	vsel vm9, $0xB, v22;
	vm11 =	vgt.f32 v35, v20;
	vm12 =	vgt.f32 v36, v21  }
0xc6: {  	v42 =	vld.idx.msk [tilespmem:v46+s3+$0x0], $0xffff;
	v30 =	vsel vm10, $0x25, v30;
	v20 =	vsel vm11, v35, v20;
	v21 =	vsel vm12, v36, v21  }
0xc7: {  	v44 =	vld.idx.msk [tilespmem:v50+s3+$0x0], $0xffff;
	v22 =	vsel vm11, $0xC, v22;
	vm13 =	vgt.f32 v37, v20;
	vm14 =	vgt.f32 v38, v21  }
0xc8: {  	v43 =	vld.idx.msk [tilespmem:v49+s3+$0x0], $0xffff;
	v30 =	vsel vm12, $0x26, v30;
	v20 =	vsel vm13, v37, v20;
	v21 =	vsel vm14, v38, v21  }
0xc9: {  	v19 =	vld.idx.msk [tilespmem:v19+s3+$0x0], $0xffff;
	v22 =	vsel vm13, $0xD, v22;
	vm15 =	vgt.f32 v39, v20;
	vm4 =	vgt.f32 v40, v21  }
0xca: {  	v45 =	vld.idx.msk [tilespmem:v51+s3+$0x0], $0xffff;
	v30 =	vsel vm14, $0x27, v30;
	v20 =	vsel vm15, v39, v20;
	v21 =	vsel vm4, v40, v21  }
0xcb: {  	v18 =	vld.idx.msk [tilespmem:v18+s3+$0x0], $0xffff;
	v22 =	vsel vm15, $0xE, v22;
	vm5 =	vgt.f32 v41, v20;
	vm6 =	vgt.f32 v42, v21  }
0xcc: {  	v17 =	vld.idx.msk [tilespmem:v17+s3+$0x0], $0xffff;
	v46 =	vsel vm4, $0x28, v30;
	v20 =	vsel vm5, v41, v20;
	v21 =	vsel vm6, v42, v21  }
0xcd: {  	v16 =	vld.idx.msk [tilespmem:v16+s3+$0x0], $0xffff;
	v22 =	vsel vm5, $0xF, v22;
	vm7 =	vgt.f32 v43, v20;
	vm8 =	vgt.f32 v44, v21  }
0xce: {  	v15 =	vld.idx.msk [tilespmem:v15+s3+$0x0], $0xffff;
	v47 =	vsel vm6, $0x29, v46;
	v20 =	vsel vm7, v43, v20;
	v21 =	vsel vm8, v44, v21  }
0xcf: {  	v14 =	vld.idx.msk [tilespmem:v14+s3+$0x0], $0xffff;
	v22 =	vsel vm7, $0x10, v22;
	vm9 =	vgt.f32 v45, v20;
	vm10 =	vgt.f32 v19, v21  }
0xd0: {  	v13 =	vld.idx.msk [tilespmem:v13+s3+$0x0], $0xffff;
	v23 =	vsel vm8, $0x2A, v47;
	v20 =	vsel vm9, v45, v20;
	v19 =	vsel vm10, v19, v21  }
0xd1: {  	v12 =	vld.idx.msk [tilespmem:v12+s3+$0x0], $0xffff;
	v48 =	vsel vm10, $0x2B, v23;
	vm11 =	vgt.f32 v18, v20;
	vm12 =	vgt.f32 v17, v19  }
0xd2: {  	v11 =	vld.idx.msk [tilespmem:v11+s3+$0x0], $0xffff;
	v22 =	vsel vm9, $0x11, v22;
	v18 =	vsel vm11, v18, v20;
	v17 =	vsel vm12, v17, v19  }
0xd3: {  	v10 =	vld.idx.msk [tilespmem:v10+s3+$0x0], $0xffff;
	v49 =	vsel vm11, $0x12, v22;
	vm13 =	vgt.f32 v16, v18;
	vm14 =	vgt.f32 v15, v17  }
0xd4: {  	v9 =	vld.idx.msk [tilespmem:v9+s3+$0x0], $0xffff;
	v51 =	vsel vm12, $0x2C, v48;
	v16 =	vsel vm13, v16, v18;
	v15 =	vsel vm14, v15, v17  }
0xd5: {  	v8 =	vld.idx.msk [tilespmem:v8+s3+$0x0], $0xffff;
	v50 =	vsel vm13, $0x13, v49;
	vm15 =	vgt.f32 v14, v16;
	vm4 =	vgt.f32 v13, v15  }
0xd6: {  	v7 =	vld.idx.msk [tilespmem:v7+s3+$0x0], $0xffff;
	v53 =	vsel vm14, $0x2D, v51;
	v14 =	vsel vm15, v14, v16;
	v13 =	vsel vm4, v13, v15  }
0xd7: {  	v5 =	vld.idx.msk [tilespmem:v5+s3+$0x0], $0xffff;
	v52 =	vsel vm15, $0x14, v50;
	vm5 =	vgt.f32 v12, v14;
	vm6 =	vgt.f32 v11, v13  }
0xd8: {  	v6 =	vld.idx.msk [tilespmem:v6+s3+$0x0], $0xffff;
	v54 =	vsel vm4, $0x2E, v53;
	v12 =	vsel vm5, v12, v14;
	v11 =	vsel vm6, v11, v13  }
0xd9: {  	v3 =	vld.idx.msk [tilespmem:v3+s3+$0x0], $0xffff;
	v55 =	vsel vm5, $0x15, v52;
	vm7 =	vgt.f32 v10, v12;
	vm8 =	vgt.f32 v9, v11  }
0xda: {  	v4 =	vld.idx.msk [tilespmem:v4+s3+$0x0], $0xffff;
	v56 =	vsel vm6, $0x2F, v54;
	v10 =	vsel vm7, v10, v12;
	v9 =	vsel vm8, v9, v11  }
0xdb: {  	v57 =	vsel vm8, $0x30, v56;
	vm9 =	vgt.f32 v8, v10;
	vm10 =	vgt.f32 v7, v9  }
0xdc: {  	v58 =	vsel vm7, $0x16, v55;
	v8 =	vsel vm9, v8, v10;
	v7 =	vsel vm10, v7, v9  }
0xdd: {  	v59 =	vsel vm10, $0x31, v57;
	vm11 =	vgt.f32 v6, v8;
	vm12 =	vgt.f32 v5, v7  }
0xde: {  	v60 =	vsel vm9, $0x17, v58;
	v6 =	vsel vm11, v6, v8;
	v5 =	vsel vm12, v5, v7  }
0xdf: {  	v61 =	vsel vm11, $0x18, v60;
	vm13 =	vgt.f32 v3, v6;
	vm14 =	vgt.f32 v4, v5  }
0xe0: {  	v62 =	vsel vm12, $0x32, v59;
	v3 =	vsel vm13, v3, v6;
	v4 =	vsel vm14, v4, v5  }
0xe1: {  	v63 =	vsel vm13, $0x19, v61;
	v6 =	vsel vm14, $0x33, v62;
	vm15 =	vgt.f32 v4, v3  }
0xe2: {  	v3 =	vsel vm15, v6, v63;
	_ =	sdelay $0x4  }
0xe3: {  	v3 =	vld.idx.msk [tilespmem:v3+s7+$0x0], $0xffff;
	_ =	sdelay $0x2  }
0xe4: {  	s11 =	sadd.s32 $0x1, s11  }
0xe5: {  	s12 =	sadd.s32 $0x10, s12;
	p0 =	sne.s32 s11, s6  }
.Ltmp1:
0xe6: {  	[tilespmem:s12+$0x0] =	vst v3;
	(pc) =	sbr.rel @p0 .LBB2_1-.Ltmp1, $4  }
0xe7: {  	[hbm4b:s5+s3] =	stream.linear.scatter [tilespmem:s10], [sflag:$0x2], $0x200, $0x38;
	[tilespmem:$0x10280] =	vst v63  }
0xe8: {  	_ =	swait.ge [sflag:s8], $0x200  }
0xe9: {  	[sflag:s8] =	ssyncset.done $0x0  }
0xea: {  	[sflag:s8] =	ssyncadd.s32 $0xFFFFFE00  }
0xeb: {  	_ =	sfence.sel $0x180000  }
0xec: {  	[bflag:$0x0] =	sbarrier.arrive $0xFFFF  }
0xed: {  	p0 =	sne.s32 s1, $0x0;
	_ =	strace $0x90000047  }
0xee: {  	s0 =	sadd.s32 @!p0 $0x100000, s0;
	[bflag:$0x2] =	sbarrier.arrive $0xFFFF  }
0xef: {  	[sflag:s0] =	ssyncadd.tile.s32 @!p0 $0x1;
	_ =	shalt  }
.Lfunc_end2:
_tile_overlayer_lowered:
.L_overlay_start_2:
0xf0: {  	(tag) =	ssettag $0x2  }
0xf1: {  	s0 =	rddreg [dreg:$0x0];
	s2 =	stileid.u32  }
0xf2: {  	s1 =	rddreg [dreg:$0x1];
	p0 =	sne.s32 s2, $0x0  }
0xf3: {  	s3 =	rddreg [dreg:$0x2];
	[bflag:$0x3] =	sbarrier.arrive $0xFFFF;
	s2 =	simm.s32 @!p0 $0x1C02  }
0xf4: {  	[timem:s3], [sflag:s2] =	dma.local @!p0 [hbm:s0], s1  }
0xf5: {  	s0 =	simm.s32 @!p0 $0x2  }
0xf6: {  	_ =	swait.ge @!p0 [sflag:s0], s1  }
0xf7: {  	s1 =	ssub.s32 @!p0 $0x0, s1;
	[sflag:s0] =	ssyncset.done @!p0 $0x0  }
0xf8: {  	[sflag:s0] =	ssyncadd.s32 @!p0 s1  }
0xf9: {  	[bflag:$0x3] =	sbarrier.arrive $0xFFFF  }
0xfa: {  	_ =	shalt  }

</sc_bundles>
